<compile_context>
chip_gen: v7x
topology: tpu7x:2x2x1
jax: 0.10.2.dev20260603
libtpu: 0.0.44.dev20260713+nightly
codegen_flags: <defaults>
</compile_context>

<pallas_src>
import functools

import jax
import jax.numpy as jnp
from jax import lax
from jax.experimental import pallas as pl
from jax.experimental.pallas import tpu as pltpu
from jax.experimental.pallas import tpu_sc as plsc

DIM = 256
NC, NS = 2, 16
NW = NC * NS
B = 32 * 1024
B_PER_W = B // NW
CHUNK = 64
N_CHUNKS = B_PER_W // CHUNK


NBUF = 7


@functools.cache
def _build():
    mesh = plsc.VectorSubcoreMesh(core_axis_name="c", subcore_axis_name="s")

    @functools.partial(
        pl.kernel,
        mesh=mesh,
        out_type=jax.ShapeDtypeStruct((NW, B_PER_W, DIM), jnp.float32),
        scratch_types=[
            pltpu.VMEM((B_PER_W,), jnp.int32),
            pltpu.VMEM((NBUF, CHUNK, DIM), jnp.float32),
            pltpu.SemaphoreType.DMA,
            pltpu.SemaphoreType.DMA,
        ],
    )
    def gather_kernel(idx_hbm, table_hbm, out_hbm, idx_v, rows_v, gsem, ssem):
        wid = lax.axis_index("s") * NC + lax.axis_index("c")
        pltpu.sync_copy(idx_hbm.at[wid], idx_v)

        def fire_gather(j):
            return pltpu.async_copy(
                table_hbm.at[idx_v.at[pl.ds(j * CHUNK, CHUNK)]],
                rows_v.at[j % NBUF], gsem)

        def fire_scatter(j):
            return pltpu.async_copy(
                rows_v.at[j % NBUF],
                out_hbm.at[wid, pl.ds(j * CHUNK, CHUNK)],
                ssem)

        gathers = {}
        scatters = {}
        waited = set()
        for j in range(min(NBUF, N_CHUNKS)):
            gathers[j] = fire_gather(j)
        for j in range(N_CHUNKS):
            if j >= NBUF - 1 and j + 1 < N_CHUNKS:
                scatters[j + 1 - NBUF].wait()
                waited.add(j + 1 - NBUF)
                gathers[j + 1] = fire_gather(j + 1)
            gathers[j].wait()
            scatters[j] = fire_scatter(j)
        for j in range(N_CHUNKS):
            if j not in waited:
                scatters[j].wait()

    return gather_kernel


def kernel(ind, embed_weight):
    return _build()(ind.astype(jnp.int32), embed_weight)

# --- scband reference (transcript-rebuilt; emitter-appended) ---
"""Pipeline reference for scband-dummy-codebook-45148696216827 (READ-ONLY COPY).

The authoritative reference and input builder live on the scoring server;
editing this copy changes nothing except your own understanding.
"""

import jax, jax.numpy as jnp
import numpy as np

CODEBOOK_SIZE = 8192
DIM = 256

def setup_inputs(seed: int = 0) -> dict:
    key = jax.random.key(seed)
    k1, k2 = jax.random.split(key)
    ind = jax.random.randint(k1, (32, 1024), 0, CODEBOOK_SIZE, dtype=jnp.int64 if jax.config.jax_enable_x64 else jnp.int32)
    embed_weight = jax.random.uniform(k2, (CODEBOOK_SIZE, DIM), dtype=jnp.float32, minval=-1.0, maxval=1.0)
    return {"ind": ind, "embed_weight": embed_weight}

def reference(ind, embed_weight):
    # Faithful codebook lookup: embed(ind) -> gather rows of the embedding table
    return jnp.take(embed_weight, ind, axis=0)

if __name__ == "__main__":
    import jax
    _d = setup_inputs()
    print(jax.jit(kernel)(*tuple(_d.values())))

</pallas_src>

<mosaic_0001>
#map = affine_map<(d0, d1) -> (0, 0)>
#map1 = affine_map<(d0, d1) -> (0, 0, 0)>
module attributes {stable_mosaic.version = 14 : i64} {
  func.func @gather_kernel(%arg0: i32, %arg1: i32, %arg2: memref<32x1024xi32, #tpu.memory_space<hbm>>, %arg3: memref<8192x256xf32, #tpu.memory_space<hbm>>, %arg4: memref<32x1024x256xf32, #tpu.memory_space<hbm>>, %arg5: memref<1024xi32, #tpu.memory_space<vmem>>, %arg6: memref<7x64x256xf32, #tpu.memory_space<vmem>>, %arg7: memref<!tpu.dma_semaphore, #tpu.memory_space<semaphore_mem>>, %arg8: memref<!tpu.dma_semaphore, #tpu.memory_space<semaphore_mem>>) attributes {dimension_semantics = [#tpu.dimension_semantics<core_parallel>, #tpu.dimension_semantics<subcore_parallel>], iteration_bounds = array<i64: 2, 16>, scalar_prefetch = 0 : i64, scratch_operands = 4 : i64, tpu.core_type = #tpu.core_type<sc_vector_subcore>, window_params = [{transform_indices = #map}, {transform_indices = #map}, {transform_indices = #map1}]} {
    %mul3A = arith.constant 2 : i32
    %mul3A_0 = arith.muli %arg1, %mul3A : i32
    %add3A = arith.addi %mul3A_0, %arg0 : i32
    "tpu.region"() ({
      %run_scoped3A = tpu.sem_alloc : memref<!tpu.dma_semaphore, #tpu.memory_space<semaphore_mem>>
      %dma_start3A_863 = arith.constant 0 : i32
      %dma_start3A_864 = tpu.memref_slice %arg2[%add3A, %dma_start3A_863] : memref<32x1024xi32, #tpu.memory_space<hbm>> -> memref<1x1024xi32, #tpu.memory_space<hbm>>
      %dma_start3A_865 = tpu.memref_squeeze %dma_start3A_864 : memref<1x1024xi32, #tpu.memory_space<hbm>> -> memref<1024xi32, #tpu.memory_space<hbm>>
      %dma_start3A_866 = arith.constant 0 : i32
      %dma_start3A_867 = tpu.memref_slice %arg2[%add3A, %dma_start3A_866] : memref<32x1024xi32, #tpu.memory_space<hbm>> -> memref<1x1024xi32, #tpu.memory_space<hbm>>
      %dma_start3A_868 = tpu.memref_squeeze %dma_start3A_867 : memref<1x1024xi32, #tpu.memory_space<hbm>> -> memref<1024xi32, #tpu.memory_space<hbm>>
      tpu.enqueue_dma source(%dma_start3A_868 : memref<1024xi32, #tpu.memory_space<hbm>>) target(%arg5 : memref<1024xi32, #tpu.memory_space<vmem>>) target_semaphore(%run_scoped3A : memref<!tpu.dma_semaphore, #tpu.memory_space<semaphore_mem>>)
      %dma_wait3A_869 = arith.constant 0 : i32
      %dma_wait3A_870 = tpu.memref_slice %arg2[%add3A, %dma_wait3A_869] : memref<32x1024xi32, #tpu.memory_space<hbm>> -> memref<1x1024xi32, #tpu.memory_space<hbm>>
      %dma_wait3A_871 = tpu.memref_squeeze %dma_wait3A_870 : memref<1x1024xi32, #tpu.memory_space<hbm>> -> memref<1024xi32, #tpu.memory_space<hbm>>
      %dma_wait3A_872 = arith.constant 0 : i32
      %dma_wait3A_873 = tpu.memref_slice %arg2[%add3A, %dma_wait3A_872] : memref<32x1024xi32, #tpu.memory_space<hbm>> -> memref<1x1024xi32, #tpu.memory_space<hbm>>
      %dma_wait3A_874 = tpu.memref_squeeze %dma_wait3A_873 : memref<1x1024xi32, #tpu.memory_space<hbm>> -> memref<1024xi32, #tpu.memory_space<hbm>>
      tpu.wait_dma2 semaphore(%run_scoped3A : memref<!tpu.dma_semaphore, #tpu.memory_space<semaphore_mem>>) src(%dma_wait3A_874 : memref<1024xi32, #tpu.memory_space<hbm>>) dst(%arg5 : memref<1024xi32, #tpu.memory_space<vmem>>)
      tpu.yield
    }) : () -> ()
    %dma_start3A = arith.constant 0 : i32
    %dma_start3A_1 = arith.constant 0 : i32
    %dma_start3A_2 = arith.constant 0 : i32
    %dma_start3A_3 = tpu.memref_slice %arg6[%dma_start3A, %dma_start3A_1, %dma_start3A_2] : memref<7x64x256xf32, #tpu.memory_space<vmem>> -> memref<1x64x256xf32, #tpu.memory_space<vmem>>
    %dma_start3A_4 = tpu.memref_squeeze %dma_start3A_3 : memref<1x64x256xf32, #tpu.memory_space<vmem>> -> memref<64x256xf32, #tpu.memory_space<vmem>>
    %dma_start3A_5 = arith.constant 0 : i32
    %dma_start3A_6 = tpu.memref_slice %arg5[%dma_start3A_5] : memref<1024xi32, #tpu.memory_space<vmem>> -> memref<64xi32, #tpu.memory_space<vmem>>
    %dma_start3A_7 = arith.constant 0 : i32
    %dma_start3A_8 = arith.constant 0 : i32
    %dma_start3A_9 = tpu.memref_slice %arg3[%dma_start3A_7, %dma_start3A_8] : memref<8192x256xf32, #tpu.memory_space<hbm>> -> memref<8192x256xf32, #tpu.memory_space<hbm>>
    tpu.enqueue_indirect_dma source(%dma_start3A_9 : memref<8192x256xf32, #tpu.memory_space<hbm>>) target(%dma_start3A_4 : memref<64x256xf32, #tpu.memory_space<vmem>>) offsets(%dma_start3A_6 : memref<64xi32, #tpu.memory_space<vmem>>) semaphore(%arg7 : memref<!tpu.dma_semaphore, #tpu.memory_space<semaphore_mem>>)
    %dma_start3A_10 = arith.constant 1 : i32
    %dma_start3A_11 = arith.constant 0 : i32
    %dma_start3A_12 = arith.constant 0 : i32
    %dma_start3A_13 = tpu.memref_slice %arg6[%dma_start3A_10, %dma_start3A_11, %dma_start3A_12] : memref<7x64x256xf32, #tpu.memory_space<vmem>> -> memref<1x64x256xf32, #tpu.memory_space<vmem>>
    %dma_start3A_14 = tpu.memref_squeeze %dma_start3A_13 : memref<1x64x256xf32, #tpu.memory_space<vmem>> -> memref<64x256xf32, #tpu.memory_space<vmem>>
    %dma_start3A_15 = arith.constant 64 : i32
    %dma_start3A_16 = tpu.memref_slice %arg5[%dma_start3A_15] : memref<1024xi32, #tpu.memory_space<vmem>> -> memref<64xi32, #tpu.memory_space<vmem>>
    %dma_start3A_17 = arith.constant 0 : i32
    %dma_start3A_18 = arith.constant 0 : i32
    %dma_start3A_19 = tpu.memref_slice %arg3[%dma_start3A_17, %dma_start3A_18] : memref<8192x256xf32, #tpu.memory_space<hbm>> -> memref<8192x256xf32, #tpu.memory_space<hbm>>
    tpu.enqueue_indirect_dma source(%dma_start3A_19 : memref<8192x256xf32, #tpu.memory_space<hbm>>) target(%dma_start3A_14 : memref<64x256xf32, #tpu.memory_space<vmem>>) offsets(%dma_start3A_16 : memref<64xi32, #tpu.memory_space<vmem>>) semaphore(%arg7 : memref<!tpu.dma_semaphore, #tpu.memory_space<semaphore_mem>>)
    %dma_start3A_20 = arith.constant 2 : i32
    %dma_start3A_21 = arith.constant 0 : i32
    %dma_start3A_22 = arith.constant 0 : i32
    %dma_start3A_23 = tpu.memref_slice %arg6[%dma_start3A_20, %dma_start3A_21, %dma_start3A_22] : memref<7x64x256xf32, #tpu.memory_space<vmem>> -> memref<1x64x256xf32, #tpu.memory_space<vmem>>
    %dma_start3A_24 = tpu.memref_squeeze %dma_start3A_23 : memref<1x64x256xf32, #tpu.memory_space<vmem>> -> memref<64x256xf32, #tpu.memory_space<vmem>>
    %dma_start3A_25 = arith.constant 128 : i32
    %dma_start3A_26 = tpu.memref_slice %arg5[%dma_start3A_25] : memref<1024xi32, #tpu.memory_space<vmem>> -> memref<64xi32, #tpu.memory_space<vmem>>
    %dma_start3A_27 = arith.constant 0 : i32
    %dma_start3A_28 = arith.constant 0 : i32
    %dma_start3A_29 = tpu.memref_slice %arg3[%dma_start3A_27, %dma_start3A_28] : memref<8192x256xf32, #tpu.memory_space<hbm>> -> memref<8192x256xf32, #tpu.memory_space<hbm>>
    tpu.enqueue_indirect_dma source(%dma_start3A_29 : memref<8192x256xf32, #tpu.memory_space<hbm>>) target(%dma_start3A_24 : memref<64x256xf32, #tpu.memory_space<vmem>>) offsets(%dma_start3A_26 : memref<64xi32, #tpu.memory_space<vmem>>) semaphore(%arg7 : memref<!tpu.dma_semaphore, #tpu.memory_space<semaphore_mem>>)
    %dma_start3A_30 = arith.constant 3 : i32
    %dma_start3A_31 = arith.constant 0 : i32
    %dma_start3A_32 = arith.constant 0 : i32
    %dma_start3A_33 = tpu.memref_slice %arg6[%dma_start3A_30, %dma_start3A_31, %dma_start3A_32] : memref<7x64x256xf32, #tpu.memory_space<vmem>> -> memref<1x64x256xf32, #tpu.memory_space<vmem>>
    %dma_start3A_34 = tpu.memref_squeeze %dma_start3A_33 : memref<1x64x256xf32, #tpu.memory_space<vmem>> -> memref<64x256xf32, #tpu.memory_space<vmem>>
    %dma_start3A_35 = arith.constant 192 : i32
    %dma_start3A_36 = tpu.memref_slice %arg5[%dma_start3A_35] : memref<1024xi32, #tpu.memory_space<vmem>> -> memref<64xi32, #tpu.memory_space<vmem>>
    %dma_start3A_37 = arith.constant 0 : i32
    %dma_start3A_38 = arith.constant 0 : i32
    %dma_start3A_39 = tpu.memref_slice %arg3[%dma_start3A_37, %dma_start3A_38] : memref<8192x256xf32, #tpu.memory_space<hbm>> -> memref<8192x256xf32, #tpu.memory_space<hbm>>
    tpu.enqueue_indirect_dma source(%dma_start3A_39 : memref<8192x256xf32, #tpu.memory_space<hbm>>) target(%dma_start3A_34 : memref<64x256xf32, #tpu.memory_space<vmem>>) offsets(%dma_start3A_36 : memref<64xi32, #tpu.memory_space<vmem>>) semaphore(%arg7 : memref<!tpu.dma_semaphore, #tpu.memory_space<semaphore_mem>>)
    %dma_start3A_40 = arith.constant 4 : i32
    %dma_start3A_41 = arith.constant 0 : i32
    %dma_start3A_42 = arith.constant 0 : i32
    %dma_start3A_43 = tpu.memref_slice %arg6[%dma_start3A_40, %dma_start3A_41, %dma_start3A_42] : memref<7x64x256xf32, #tpu.memory_space<vmem>> -> memref<1x64x256xf32, #tpu.memory_space<vmem>>
    %dma_start3A_44 = tpu.memref_squeeze %dma_start3A_43 : memref<1x64x256xf32, #tpu.memory_space<vmem>> -> memref<64x256xf32, #tpu.memory_space<vmem>>
    %dma_start3A_45 = arith.constant 256 : i32
    %dma_start3A_46 = tpu.memref_slice %arg5[%dma_start3A_45] : memref<1024xi32, #tpu.memory_space<vmem>> -> memref<64xi32, #tpu.memory_space<vmem>>
    %dma_start3A_47 = arith.constant 0 : i32
    %dma_start3A_48 = arith.constant 0 : i32
    %dma_start3A_49 = tpu.memref_slice %arg3[%dma_start3A_47, %dma_start3A_48] : memref<8192x256xf32, #tpu.memory_space<hbm>> -> memref<8192x256xf32, #tpu.memory_space<hbm>>
    tpu.enqueue_indirect_dma source(%dma_start3A_49 : memref<8192x256xf32, #tpu.memory_space<hbm>>) target(%dma_start3A_44 : memref<64x256xf32, #tpu.memory_space<vmem>>) offsets(%dma_start3A_46 : memref<64xi32, #tpu.memory_space<vmem>>) semaphore(%arg7 : memref<!tpu.dma_semaphore, #tpu.memory_space<semaphore_mem>>)
    %dma_start3A_50 = arith.constant 5 : i32
    %dma_start3A_51 = arith.constant 0 : i32
    %dma_start3A_52 = arith.constant 0 : i32
    %dma_start3A_53 = tpu.memref_slice %arg6[%dma_start3A_50, %dma_start3A_51, %dma_start3A_52] : memref<7x64x256xf32, #tpu.memory_space<vmem>> -> memref<1x64x256xf32, #tpu.memory_space<vmem>>
    %dma_start3A_54 = tpu.memref_squeeze %dma_start3A_53 : memref<1x64x256xf32, #tpu.memory_space<vmem>> -> memref<64x256xf32, #tpu.memory_space<vmem>>
    %dma_start3A_55 = arith.constant 320 : i32
    %dma_start3A_56 = tpu.memref_slice %arg5[%dma_start3A_55] : memref<1024xi32, #tpu.memory_space<vmem>> -> memref<64xi32, #tpu.memory_space<vmem>>
    %dma_start3A_57 = arith.constant 0 : i32
    %dma_start3A_58 = arith.constant 0 : i32
    %dma_start3A_59 = tpu.memref_slice %arg3[%dma_start3A_57, %dma_start3A_58] : memref<8192x256xf32, #tpu.memory_space<hbm>> -> memref<8192x256xf32, #tpu.memory_space<hbm>>
    tpu.enqueue_indirect_dma source(%dma_start3A_59 : memref<8192x256xf32, #tpu.memory_space<hbm>>) target(%dma_start3A_54 : memref<64x256xf32, #tpu.memory_space<vmem>>) offsets(%dma_start3A_56 : memref<64xi32, #tpu.memory_space<vmem>>) semaphore(%arg7 : memref<!tpu.dma_semaphore, #tpu.memory_space<semaphore_mem>>)
    %dma_start3A_60 = arith.constant 6 : i32
    %dma_start3A_61 = arith.constant 0 : i32
    %dma_start3A_62 = arith.constant 0 : i32
    %dma_start3A_63 = tpu.memref_slice %arg6[%dma_start3A_60, %dma_start3A_61, %dma_start3A_62] : memref<7x64x256xf32, #tpu.memory_space<vmem>> -> memref<1x64x256xf32, #tpu.memory_space<vmem>>
    %dma_start3A_64 = tpu.memref_squeeze %dma_start3A_63 : memref<1x64x256xf32, #tpu.memory_space<vmem>> -> memref<64x256xf32, #tpu.memory_space<vmem>>
    %dma_start3A_65 = arith.constant 384 : i32
    %dma_start3A_66 = tpu.memref_slice %arg5[%dma_start3A_65] : memref<1024xi32, #tpu.memory_space<vmem>> -> memref<64xi32, #tpu.memory_space<vmem>>
    %dma_start3A_67 = arith.constant 0 : i32
    %dma_start3A_68 = arith.constant 0 : i32
    %dma_start3A_69 = tpu.memref_slice %arg3[%dma_start3A_67, %dma_start3A_68] : memref<8192x256xf32, #tpu.memory_space<hbm>> -> memref<8192x256xf32, #tpu.memory_space<hbm>>
    tpu.enqueue_indirect_dma source(%dma_start3A_69 : memref<8192x256xf32, #tpu.memory_space<hbm>>) target(%dma_start3A_64 : memref<64x256xf32, #tpu.memory_space<vmem>>) offsets(%dma_start3A_66 : memref<64xi32, #tpu.memory_space<vmem>>) semaphore(%arg7 : memref<!tpu.dma_semaphore, #tpu.memory_space<semaphore_mem>>)
    %dma_wait3A = arith.constant 0 : i32
    %dma_wait3A_70 = arith.constant 0 : i32
    %dma_wait3A_71 = arith.constant 0 : i32
    %dma_wait3A_72 = tpu.memref_slice %arg6[%dma_wait3A, %dma_wait3A_70, %dma_wait3A_71] : memref<7x64x256xf32, #tpu.memory_space<vmem>> -> memref<1x64x256xf32, #tpu.memory_space<vmem>>
    %dma_wait3A_73 = tpu.memref_squeeze %dma_wait3A_72 : memref<1x64x256xf32, #tpu.memory_space<vmem>> -> memref<64x256xf32, #tpu.memory_space<vmem>>
    %dma_wait3A_74 = arith.constant 0 : i32
    %dma_wait3A_75 = tpu.memref_slice %arg5[%dma_wait3A_74] : memref<1024xi32, #tpu.memory_space<vmem>> -> memref<64xi32, #tpu.memory_space<vmem>>
    %dma_wait3A_76 = arith.constant 0 : i32
    %dma_wait3A_77 = arith.constant 0 : i32
    %dma_wait3A_78 = tpu.memref_slice %arg3[%dma_wait3A_76, %dma_wait3A_77] : memref<8192x256xf32, #tpu.memory_space<hbm>> -> memref<8192x256xf32, #tpu.memory_space<hbm>>
    tpu.wait_indirect_dma semaphore(%arg7 : memref<!tpu.dma_semaphore, #tpu.memory_space<semaphore_mem>>) src(%dma_wait3A_78 : memref<8192x256xf32, #tpu.memory_space<hbm>>) dst(%dma_wait3A_73 : memref<64x256xf32, #tpu.memory_space<vmem>>)
    %dma_start3A_79 = arith.constant 0 : i32
    %dma_start3A_80 = arith.constant 0 : i32
    %dma_start3A_81 = arith.constant 0 : i32
    %dma_start3A_82 = tpu.memref_slice %arg6[%dma_start3A_79, %dma_start3A_80, %dma_start3A_81] : memref<7x64x256xf32, #tpu.memory_space<vmem>> -> memref<1x64x256xf32, #tpu.memory_space<vmem>>
    %dma_start3A_83 = tpu.memref_squeeze %dma_start3A_82 : memref<1x64x256xf32, #tpu.memory_space<vmem>> -> memref<64x256xf32, #tpu.memory_space<vmem>>
    %dma_start3A_84 = arith.constant 0 : i32
    %dma_start3A_85 = arith.constant 0 : i32
    %dma_start3A_86 = tpu.memref_slice %arg4[%add3A, %dma_start3A_84, %dma_start3A_85] : memref<32x1024x256xf32, #tpu.memory_space<hbm>> -> memref<1x64x256xf32, #tpu.memory_space<hbm>>
    %dma_start3A_87 = tpu.memref_squeeze %dma_start3A_86 : memref<1x64x256xf32, #tpu.memory_space<hbm>> -> memref<64x256xf32, #tpu.memory_space<hbm>>
    %dma_start3A_88 = arith.constant 0 : i32
    %dma_start3A_89 = arith.constant 0 : i32
    %dma_start3A_90 = tpu.memref_slice %arg4[%add3A, %dma_start3A_88, %dma_start3A_89] : memref<32x1024x256xf32, #tpu.memory_space<hbm>> -> memref<1x64x256xf32, #tpu.memory_space<hbm>>
    %dma_start3A_91 = tpu.memref_squeeze %dma_start3A_90 : memref<1x64x256xf32, #tpu.memory_space<hbm>> -> memref<64x256xf32, #tpu.memory_space<hbm>>
    %dma_start3A_92 = arith.constant 0 : i32
    %dma_start3A_93 = arith.constant 0 : i32
    %dma_start3A_94 = tpu.memref_slice %arg6[%dma_start3A_79, %dma_start3A_92, %dma_start3A_93] : memref<7x64x256xf32, #tpu.memory_space<vmem>> -> memref<1x64x256xf32, #tpu.memory_space<vmem>>
    %dma_start3A_95 = tpu.memref_squeeze %dma_start3A_94 : memref<1x64x256xf32, #tpu.memory_space<vmem>> -> memref<64x256xf32, #tpu.memory_space<vmem>>
    tpu.enqueue_dma source(%dma_start3A_95 : memref<64x256xf32, #tpu.memory_space<vmem>>) target(%dma_start3A_91 : memref<64x256xf32, #tpu.memory_space<hbm>>) target_semaphore(%arg8 : memref<!tpu.dma_semaphore, #tpu.memory_space<semaphore_mem>>)
    %dma_wait3A_96 = arith.constant 1 : i32
    %dma_wait3A_97 = arith.constant 0 : i32
    %dma_wait3A_98 = arith.constant 0 : i32
    %dma_wait3A_99 = tpu.memref_slice %arg6[%dma_wait3A_96, %dma_wait3A_97, %dma_wait3A_98] : memref<7x64x256xf32, #tpu.memory_space<vmem>> -> memref<1x64x256xf32, #tpu.memory_space<vmem>>
    %dma_wait3A_100 = tpu.memref_squeeze %dma_wait3A_99 : memref<1x64x256xf32, #tpu.memory_space<vmem>> -> memref<64x256xf32, #tpu.memory_space<vmem>>
    %dma_wait3A_101 = arith.constant 64 : i32
    %dma_wait3A_102 = tpu.memref_slice %arg5[%dma_wait3A_101] : memref<1024xi32, #tpu.memory_space<vmem>> -> memref<64xi32, #tpu.memory_space<vmem>>
    %dma_wait3A_103 = arith.constant 0 : i32
    %dma_wait3A_104 = arith.constant 0 : i32
    %dma_wait3A_105 = tpu.memref_slice %arg3[%dma_wait3A_103, %dma_wait3A_104] : memref<8192x256xf32, #tpu.memory_space<hbm>> -> memref<8192x256xf32, #tpu.memory_space<hbm>>
    tpu.wait_indirect_dma semaphore(%arg7 : memref<!tpu.dma_semaphore, #tpu.memory_space<semaphore_mem>>) src(%dma_wait3A_105 : memref<8192x256xf32, #tpu.memory_space<hbm>>) dst(%dma_wait3A_100 : memref<64x256xf32, #tpu.memory_space<vmem>>)
    %dma_start3A_106 = arith.constant 1 : i32
    %dma_start3A_107 = arith.constant 0 : i32
    %dma_start3A_108 = arith.constant 0 : i32
    %dma_start3A_109 = tpu.memref_slice %arg6[%dma_start3A_106, %dma_start3A_107, %dma_start3A_108] : memref<7x64x256xf32, #tpu.memory_space<vmem>> -> memref<1x64x256xf32, #tpu.memory_space<vmem>>
    %dma_start3A_110 = tpu.memref_squeeze %dma_start3A_109 : memref<1x64x256xf32, #tpu.memory_space<vmem>> -> memref<64x256xf32, #tpu.memory_space<vmem>>
    %dma_start3A_111 = arith.constant 64 : i32
    %dma_start3A_112 = arith.constant 0 : i32
    %dma_start3A_113 = tpu.memref_slice %arg4[%add3A, %dma_start3A_111, %dma_start3A_112] : memref<32x1024x256xf32, #tpu.memory_space<hbm>> -> memref<1x64x256xf32, #tpu.memory_space<hbm>>
    %dma_start3A_114 = tpu.memref_squeeze %dma_start3A_113 : memref<1x64x256xf32, #tpu.memory_space<hbm>> -> memref<64x256xf32, #tpu.memory_space<hbm>>
    %dma_start3A_115 = arith.constant 64 : i32
    %dma_start3A_116 = arith.constant 0 : i32
    %dma_start3A_117 = tpu.memref_slice %arg4[%add3A, %dma_start3A_115, %dma_start3A_116] : memref<32x1024x256xf32, #tpu.memory_space<hbm>> -> memref<1x64x256xf32, #tpu.memory_space<hbm>>
    %dma_start3A_118 = tpu.memref_squeeze %dma_start3A_117 : memref<1x64x256xf32, #tpu.memory_space<hbm>> -> memref<64x256xf32, #tpu.memory_space<hbm>>
    %dma_start3A_119 = arith.constant 0 : i32
    %dma_start3A_120 = arith.constant 0 : i32
    %dma_start3A_121 = tpu.memref_slice %arg6[%dma_start3A_106, %dma_start3A_119, %dma_start3A_120] : memref<7x64x256xf32, #tpu.memory_space<vmem>> -> memref<1x64x256xf32, #tpu.memory_space<vmem>>
    %dma_start3A_122 = tpu.memref_squeeze %dma_start3A_121 : memref<1x64x256xf32, #tpu.memory_space<vmem>> -> memref<64x256xf32, #tpu.memory_space<vmem>>
    tpu.enqueue_dma source(%dma_start3A_122 : memref<64x256xf32, #tpu.memory_space<vmem>>) target(%dma_start3A_118 : memref<64x256xf32, #tpu.memory_space<hbm>>) target_semaphore(%arg8 : memref<!tpu.dma_semaphore, #tpu.memory_space<semaphore_mem>>)
    %dma_wait3A_123 = arith.constant 2 : i32
    %dma_wait3A_124 = arith.constant 0 : i32
    %dma_wait3A_125 = arith.constant 0 : i32
    %dma_wait3A_126 = tpu.memref_slice %arg6[%dma_wait3A_123, %dma_wait3A_124, %dma_wait3A_125] : memref<7x64x256xf32, #tpu.memory_space<vmem>> -> memref<1x64x256xf32, #tpu.memory_space<vmem>>
    %dma_wait3A_127 = tpu.memref_squeeze %dma_wait3A_126 : memref<1x64x256xf32, #tpu.memory_space<vmem>> -> memref<64x256xf32, #tpu.memory_space<vmem>>
    %dma_wait3A_128 = arith.constant 128 : i32
    %dma_wait3A_129 = tpu.memref_slice %arg5[%dma_wait3A_128] : memref<1024xi32, #tpu.memory_space<vmem>> -> memref<64xi32, #tpu.memory_space<vmem>>
    %dma_wait3A_130 = arith.constant 0 : i32
    %dma_wait3A_131 = arith.constant 0 : i32
    %dma_wait3A_132 = tpu.memref_slice %arg3[%dma_wait3A_130, %dma_wait3A_131] : memref<8192x256xf32, #tpu.memory_space<hbm>> -> memref<8192x256xf32, #tpu.memory_space<hbm>>
    tpu.wait_indirect_dma semaphore(%arg7 : memref<!tpu.dma_semaphore, #tpu.memory_space<semaphore_mem>>) src(%dma_wait3A_132 : memref<8192x256xf32, #tpu.memory_space<hbm>>) dst(%dma_wait3A_127 : memref<64x256xf32, #tpu.memory_space<vmem>>)
    %dma_start3A_133 = arith.constant 2 : i32
    %dma_start3A_134 = arith.constant 0 : i32
    %dma_start3A_135 = arith.constant 0 : i32
    %dma_start3A_136 = tpu.memref_slice %arg6[%dma_start3A_133, %dma_start3A_134, %dma_start3A_135] : memref<7x64x256xf32, #tpu.memory_space<vmem>> -> memref<1x64x256xf32, #tpu.memory_space<vmem>>
    %dma_start3A_137 = tpu.memref_squeeze %dma_start3A_136 : memref<1x64x256xf32, #tpu.memory_space<vmem>> -> memref<64x256xf32, #tpu.memory_space<vmem>>
    %dma_start3A_138 = arith.constant 128 : i32
    %dma_start3A_139 = arith.constant 0 : i32
    %dma_start3A_140 = tpu.memref_slice %arg4[%add3A, %dma_start3A_138, %dma_start3A_139] : memref<32x1024x256xf32, #tpu.memory_space<hbm>> -> memref<1x64x256xf32, #tpu.memory_space<hbm>>
    %dma_start3A_141 = tpu.memref_squeeze %dma_start3A_140 : memref<1x64x256xf32, #tpu.memory_space<hbm>> -> memref<64x256xf32, #tpu.memory_space<hbm>>
    %dma_start3A_142 = arith.constant 128 : i32
    %dma_start3A_143 = arith.constant 0 : i32
    %dma_start3A_144 = tpu.memref_slice %arg4[%add3A, %dma_start3A_142, %dma_start3A_143] : memref<32x1024x256xf32, #tpu.memory_space<hbm>> -> memref<1x64x256xf32, #tpu.memory_space<hbm>>
    %dma_start3A_145 = tpu.memref_squeeze %dma_start3A_144 : memref<1x64x256xf32, #tpu.memory_space<hbm>> -> memref<64x256xf32, #tpu.memory_space<hbm>>
    %dma_start3A_146 = arith.constant 0 : i32
    %dma_start3A_147 = arith.constant 0 : i32
    %dma_start3A_148 = tpu.memref_slice %arg6[%dma_start3A_133, %dma_start3A_146, %dma_start3A_147] : memref<7x64x256xf32, #tpu.memory_space<vmem>> -> memref<1x64x256xf32, #tpu.memory_space<vmem>>
    %dma_start3A_149 = tpu.memref_squeeze %dma_start3A_148 : memref<1x64x256xf32, #tpu.memory_space<vmem>> -> memref<64x256xf32, #tpu.memory_space<vmem>>
    tpu.enqueue_dma source(%dma_start3A_149 : memref<64x256xf32, #tpu.memory_space<vmem>>) target(%dma_start3A_145 : memref<64x256xf32, #tpu.memory_space<hbm>>) target_semaphore(%arg8 : memref<!tpu.dma_semaphore, #tpu.memory_space<semaphore_mem>>)
    %dma_wait3A_150 = arith.constant 3 : i32
    %dma_wait3A_151 = arith.constant 0 : i32
    %dma_wait3A_152 = arith.constant 0 : i32
    %dma_wait3A_153 = tpu.memref_slice %arg6[%dma_wait3A_150, %dma_wait3A_151, %dma_wait3A_152] : memref<7x64x256xf32, #tpu.memory_space<vmem>> -> memref<1x64x256xf32, #tpu.memory_space<vmem>>
    %dma_wait3A_154 = tpu.memref_squeeze %dma_wait3A_153 : memref<1x64x256xf32, #tpu.memory_space<vmem>> -> memref<64x256xf32, #tpu.memory_space<vmem>>
    %dma_wait3A_155 = arith.constant 192 : i32
    %dma_wait3A_156 = tpu.memref_slice %arg5[%dma_wait3A_155] : memref<1024xi32, #tpu.memory_space<vmem>> -> memref<64xi32, #tpu.memory_space<vmem>>
    %dma_wait3A_157 = arith.constant 0 : i32
    %dma_wait3A_158 = arith.constant 0 : i32
    %dma_wait3A_159 = tpu.memref_slice %arg3[%dma_wait3A_157, %dma_wait3A_158] : memref<8192x256xf32, #tpu.memory_space<hbm>> -> memref<8192x256xf32, #tpu.memory_space<hbm>>
    tpu.wait_indirect_dma semaphore(%arg7 : memref<!tpu.dma_semaphore, #tpu.memory_space<semaphore_mem>>) src(%dma_wait3A_159 : memref<8192x256xf32, #tpu.memory_space<hbm>>) dst(%dma_wait3A_154 : memref<64x256xf32, #tpu.memory_space<vmem>>)
    %dma_start3A_160 = arith.constant 3 : i32
    %dma_start3A_161 = arith.constant 0 : i32
    %dma_start3A_162 = arith.constant 0 : i32
    %dma_start3A_163 = tpu.memref_slice %arg6[%dma_start3A_160, %dma_start3A_161, %dma_start3A_162] : memref<7x64x256xf32, #tpu.memory_space<vmem>> -> memref<1x64x256xf32, #tpu.memory_space<vmem>>
    %dma_start3A_164 = tpu.memref_squeeze %dma_start3A_163 : memref<1x64x256xf32, #tpu.memory_space<vmem>> -> memref<64x256xf32, #tpu.memory_space<vmem>>
    %dma_start3A_165 = arith.constant 192 : i32
    %dma_start3A_166 = arith.constant 0 : i32
    %dma_start3A_167 = tpu.memref_slice %arg4[%add3A, %dma_start3A_165, %dma_start3A_166] : memref<32x1024x256xf32, #tpu.memory_space<hbm>> -> memref<1x64x256xf32, #tpu.memory_space<hbm>>
    %dma_start3A_168 = tpu.memref_squeeze %dma_start3A_167 : memref<1x64x256xf32, #tpu.memory_space<hbm>> -> memref<64x256xf32, #tpu.memory_space<hbm>>
    %dma_start3A_169 = arith.constant 192 : i32
    %dma_start3A_170 = arith.constant 0 : i32
    %dma_start3A_171 = tpu.memref_slice %arg4[%add3A, %dma_start3A_169, %dma_start3A_170] : memref<32x1024x256xf32, #tpu.memory_space<hbm>> -> memref<1x64x256xf32, #tpu.memory_space<hbm>>
    %dma_start3A_172 = tpu.memref_squeeze %dma_start3A_171 : memref<1x64x256xf32, #tpu.memory_space<hbm>> -> memref<64x256xf32, #tpu.memory_space<hbm>>
    %dma_start3A_173 = arith.constant 0 : i32
    %dma_start3A_174 = arith.constant 0 : i32
    %dma_start3A_175 = tpu.memref_slice %arg6[%dma_start3A_160, %dma_start3A_173, %dma_start3A_174] : memref<7x64x256xf32, #tpu.memory_space<vmem>> -> memref<1x64x256xf32, #tpu.memory_space<vmem>>
    %dma_start3A_176 = tpu.memref_squeeze %dma_start3A_175 : memref<1x64x256xf32, #tpu.memory_space<vmem>> -> memref<64x256xf32, #tpu.memory_space<vmem>>
    tpu.enqueue_dma source(%dma_start3A_176 : memref<64x256xf32, #tpu.memory_space<vmem>>) target(%dma_start3A_172 : memref<64x256xf32, #tpu.memory_space<hbm>>) target_semaphore(%arg8 : memref<!tpu.dma_semaphore, #tpu.memory_space<semaphore_mem>>)
    %dma_wait3A_177 = arith.constant 4 : i32
    %dma_wait3A_178 = arith.constant 0 : i32
    %dma_wait3A_179 = arith.constant 0 : i32
    %dma_wait3A_180 = tpu.memref_slice %arg6[%dma_wait3A_177, %dma_wait3A_178, %dma_wait3A_179] : memref<7x64x256xf32, #tpu.memory_space<vmem>> -> memref<1x64x256xf32, #tpu.memory_space<vmem>>
    %dma_wait3A_181 = tpu.memref_squeeze %dma_wait3A_180 : memref<1x64x256xf32, #tpu.memory_space<vmem>> -> memref<64x256xf32, #tpu.memory_space<vmem>>
    %dma_wait3A_182 = arith.constant 256 : i32
    %dma_wait3A_183 = tpu.memref_slice %arg5[%dma_wait3A_182] : memref<1024xi32, #tpu.memory_space<vmem>> -> memref<64xi32, #tpu.memory_space<vmem>>
    %dma_wait3A_184 = arith.constant 0 : i32
    %dma_wait3A_185 = arith.constant 0 : i32
    %dma_wait3A_186 = tpu.memref_slice %arg3[%dma_wait3A_184, %dma_wait3A_185] : memref<8192x256xf32, #tpu.memory_space<hbm>> -> memref<8192x256xf32, #tpu.memory_space<hbm>>
    tpu.wait_indirect_dma semaphore(%arg7 : memref<!tpu.dma_semaphore, #tpu.memory_space<semaphore_mem>>) src(%dma_wait3A_186 : memref<8192x256xf32, #tpu.memory_space<hbm>>) dst(%dma_wait3A_181 : memref<64x256xf32, #tpu.memory_space<vmem>>)
    %dma_start3A_187 = arith.constant 4 : i32
    %dma_start3A_188 = arith.constant 0 : i32
    %dma_start3A_189 = arith.constant 0 : i32
    %dma_start3A_190 = tpu.memref_slice %arg6[%dma_start3A_187, %dma_start3A_188, %dma_start3A_189] : memref<7x64x256xf32, #tpu.memory_space<vmem>> -> memref<1x64x256xf32, #tpu.memory_space<vmem>>
    %dma_start3A_191 = tpu.memref_squeeze %dma_start3A_190 : memref<1x64x256xf32, #tpu.memory_space<vmem>> -> memref<64x256xf32, #tpu.memory_space<vmem>>
    %dma_start3A_192 = arith.constant 256 : i32
    %dma_start3A_193 = arith.constant 0 : i32
    %dma_start3A_194 = tpu.memref_slice %arg4[%add3A, %dma_start3A_192, %dma_start3A_193] : memref<32x1024x256xf32, #tpu.memory_space<hbm>> -> memref<1x64x256xf32, #tpu.memory_space<hbm>>
    %dma_start3A_195 = tpu.memref_squeeze %dma_start3A_194 : memref<1x64x256xf32, #tpu.memory_space<hbm>> -> memref<64x256xf32, #tpu.memory_space<hbm>>
    %dma_start3A_196 = arith.constant 256 : i32
    %dma_start3A_197 = arith.constant 0 : i32
    %dma_start3A_198 = tpu.memref_slice %arg4[%add3A, %dma_start3A_196, %dma_start3A_197] : memref<32x1024x256xf32, #tpu.memory_space<hbm>> -> memref<1x64x256xf32, #tpu.memory_space<hbm>>
    %dma_start3A_199 = tpu.memref_squeeze %dma_start3A_198 : memref<1x64x256xf32, #tpu.memory_space<hbm>> -> memref<64x256xf32, #tpu.memory_space<hbm>>
    %dma_start3A_200 = arith.constant 0 : i32
    %dma_start3A_201 = arith.constant 0 : i32
    %dma_start3A_202 = tpu.memref_slice %arg6[%dma_start3A_187, %dma_start3A_200, %dma_start3A_201] : memref<7x64x256xf32, #tpu.memory_space<vmem>> -> memref<1x64x256xf32, #tpu.memory_space<vmem>>
    %dma_start3A_203 = tpu.memref_squeeze %dma_start3A_202 : memref<1x64x256xf32, #tpu.memory_space<vmem>> -> memref<64x256xf32, #tpu.memory_space<vmem>>
    tpu.enqueue_dma source(%dma_start3A_203 : memref<64x256xf32, #tpu.memory_space<vmem>>) target(%dma_start3A_199 : memref<64x256xf32, #tpu.memory_space<hbm>>) target_semaphore(%arg8 : memref<!tpu.dma_semaphore, #tpu.memory_space<semaphore_mem>>)
    %dma_wait3A_204 = arith.constant 5 : i32
    %dma_wait3A_205 = arith.constant 0 : i32
    %dma_wait3A_206 = arith.constant 0 : i32
    %dma_wait3A_207 = tpu.memref_slice %arg6[%dma_wait3A_204, %dma_wait3A_205, %dma_wait3A_206] : memref<7x64x256xf32, #tpu.memory_space<vmem>> -> memref<1x64x256xf32, #tpu.memory_space<vmem>>
    %dma_wait3A_208 = tpu.memref_squeeze %dma_wait3A_207 : memref<1x64x256xf32, #tpu.memory_space<vmem>> -> memref<64x256xf32, #tpu.memory_space<vmem>>
    %dma_wait3A_209 = arith.constant 320 : i32
    %dma_wait3A_210 = tpu.memref_slice %arg5[%dma_wait3A_209] : memref<1024xi32, #tpu.memory_space<vmem>> -> memref<64xi32, #tpu.memory_space<vmem>>
    %dma_wait3A_211 = arith.constant 0 : i32
    %dma_wait3A_212 = arith.constant 0 : i32
    %dma_wait3A_213 = tpu.memref_slice %arg3[%dma_wait3A_211, %dma_wait3A_212] : memref<8192x256xf32, #tpu.memory_space<hbm>> -> memref<8192x256xf32, #tpu.memory_space<hbm>>
    tpu.wait_indirect_dma semaphore(%arg7 : memref<!tpu.dma_semaphore, #tpu.memory_space<semaphore_mem>>) src(%dma_wait3A_213 : memref<8192x256xf32, #tpu.memory_space<hbm>>) dst(%dma_wait3A_208 : memref<64x256xf32, #tpu.memory_space<vmem>>)
    %dma_start3A_214 = arith.constant 5 : i32
    %dma_start3A_215 = arith.constant 0 : i32
    %dma_start3A_216 = arith.constant 0 : i32
    %dma_start3A_217 = tpu.memref_slice %arg6[%dma_start3A_214, %dma_start3A_215, %dma_start3A_216] : memref<7x64x256xf32, #tpu.memory_space<vmem>> -> memref<1x64x256xf32, #tpu.memory_space<vmem>>
    %dma_start3A_218 = tpu.memref_squeeze %dma_start3A_217 : memref<1x64x256xf32, #tpu.memory_space<vmem>> -> memref<64x256xf32, #tpu.memory_space<vmem>>
    %dma_start3A_219 = arith.constant 320 : i32
    %dma_start3A_220 = arith.constant 0 : i32
    %dma_start3A_221 = tpu.memref_slice %arg4[%add3A, %dma_start3A_219, %dma_start3A_220] : memref<32x1024x256xf32, #tpu.memory_space<hbm>> -> memref<1x64x256xf32, #tpu.memory_space<hbm>>
    %dma_start3A_222 = tpu.memref_squeeze %dma_start3A_221 : memref<1x64x256xf32, #tpu.memory_space<hbm>> -> memref<64x256xf32, #tpu.memory_space<hbm>>
    %dma_start3A_223 = arith.constant 320 : i32
    %dma_start3A_224 = arith.constant 0 : i32
    %dma_start3A_225 = tpu.memref_slice %arg4[%add3A, %dma_start3A_223, %dma_start3A_224] : memref<32x1024x256xf32, #tpu.memory_space<hbm>> -> memref<1x64x256xf32, #tpu.memory_space<hbm>>
    %dma_start3A_226 = tpu.memref_squeeze %dma_start3A_225 : memref<1x64x256xf32, #tpu.memory_space<hbm>> -> memref<64x256xf32, #tpu.memory_space<hbm>>
    %dma_start3A_227 = arith.constant 0 : i32
    %dma_start3A_228 = arith.constant 0 : i32
    %dma_start3A_229 = tpu.memref_slice %arg6[%dma_start3A_214, %dma_start3A_227, %dma_start3A_228] : memref<7x64x256xf32, #tpu.memory_space<vmem>> -> memref<1x64x256xf32, #tpu.memory_space<vmem>>
    %dma_start3A_230 = tpu.memref_squeeze %dma_start3A_229 : memref<1x64x256xf32, #tpu.memory_space<vmem>> -> memref<64x256xf32, #tpu.memory_space<vmem>>
    tpu.enqueue_dma source(%dma_start3A_230 : memref<64x256xf32, #tpu.memory_space<vmem>>) target(%dma_start3A_226 : memref<64x256xf32, #tpu.memory_space<hbm>>) target_semaphore(%arg8 : memref<!tpu.dma_semaphore, #tpu.memory_space<semaphore_mem>>)
    %dma_wait3A_231 = arith.constant 0 : i32
    %dma_wait3A_232 = arith.constant 0 : i32
    %dma_wait3A_233 = arith.constant 0 : i32
    %dma_wait3A_234 = tpu.memref_slice %arg6[%dma_wait3A_231, %dma_wait3A_232, %dma_wait3A_233] : memref<7x64x256xf32, #tpu.memory_space<vmem>> -> memref<1x64x256xf32, #tpu.memory_space<vmem>>
    %dma_wait3A_235 = tpu.memref_squeeze %dma_wait3A_234 : memref<1x64x256xf32, #tpu.memory_space<vmem>> -> memref<64x256xf32, #tpu.memory_space<vmem>>
    %dma_wait3A_236 = arith.constant 0 : i32
    %dma_wait3A_237 = arith.constant 0 : i32
    %dma_wait3A_238 = tpu.memref_slice %arg4[%add3A, %dma_wait3A_236, %dma_wait3A_237] : memref<32x1024x256xf32, #tpu.memory_space<hbm>> -> memref<1x64x256xf32, #tpu.memory_space<hbm>>
    %dma_wait3A_239 = tpu.memref_squeeze %dma_wait3A_238 : memref<1x64x256xf32, #tpu.memory_space<hbm>> -> memref<64x256xf32, #tpu.memory_space<hbm>>
    %dma_wait3A_240 = arith.constant 0 : i32
    %dma_wait3A_241 = arith.constant 0 : i32
    %dma_wait3A_242 = tpu.memref_slice %arg4[%add3A, %dma_wait3A_240, %dma_wait3A_241] : memref<32x1024x256xf32, #tpu.memory_space<hbm>> -> memref<1x64x256xf32, #tpu.memory_space<hbm>>
    %dma_wait3A_243 = tpu.memref_squeeze %dma_wait3A_242 : memref<1x64x256xf32, #tpu.memory_space<hbm>> -> memref<64x256xf32, #tpu.memory_space<hbm>>
    %dma_wait3A_244 = arith.constant 0 : i32
    %dma_wait3A_245 = arith.constant 0 : i32
    %dma_wait3A_246 = tpu.memref_slice %arg6[%dma_wait3A_231, %dma_wait3A_244, %dma_wait3A_245] : memref<7x64x256xf32, #tpu.memory_space<vmem>> -> memref<1x64x256xf32, #tpu.memory_space<vmem>>
    %dma_wait3A_247 = tpu.memref_squeeze %dma_wait3A_246 : memref<1x64x256xf32, #tpu.memory_space<vmem>> -> memref<64x256xf32, #tpu.memory_space<vmem>>
    tpu.wait_dma2 semaphore(%arg8 : memref<!tpu.dma_semaphore, #tpu.memory_space<semaphore_mem>>) src(%dma_wait3A_247 : memref<64x256xf32, #tpu.memory_space<vmem>>) dst(%dma_wait3A_243 : memref<64x256xf32, #tpu.memory_space<hbm>>)
    %dma_start3A_248 = arith.constant 0 : i32
    %dma_start3A_249 = arith.constant 0 : i32
    %dma_start3A_250 = arith.constant 0 : i32
    %dma_start3A_251 = tpu.memref_slice %arg6[%dma_start3A_248, %dma_start3A_249, %dma_start3A_250] : memref<7x64x256xf32, #tpu.memory_space<vmem>> -> memref<1x64x256xf32, #tpu.memory_space<vmem>>
    %dma_start3A_252 = tpu.memref_squeeze %dma_start3A_251 : memref<1x64x256xf32, #tpu.memory_space<vmem>> -> memref<64x256xf32, #tpu.memory_space<vmem>>
    %dma_start3A_253 = arith.constant 448 : i32
    %dma_start3A_254 = tpu.memref_slice %arg5[%dma_start3A_253] : memref<1024xi32, #tpu.memory_space<vmem>> -> memref<64xi32, #tpu.memory_space<vmem>>
    %dma_start3A_255 = arith.constant 0 : i32
    %dma_start3A_256 = arith.constant 0 : i32
    %dma_start3A_257 = tpu.memref_slice %arg3[%dma_start3A_255, %dma_start3A_256] : memref<8192x256xf32, #tpu.memory_space<hbm>> -> memref<8192x256xf32, #tpu.memory_space<hbm>>
    tpu.enqueue_indirect_dma source(%dma_start3A_257 : memref<8192x256xf32, #tpu.memory_space<hbm>>) target(%dma_start3A_252 : memref<64x256xf32, #tpu.memory_space<vmem>>) offsets(%dma_start3A_254 : memref<64xi32, #tpu.memory_space<vmem>>) semaphore(%arg7 : memref<!tpu.dma_semaphore, #tpu.memory_space<semaphore_mem>>)
    %dma_wait3A_258 = arith.constant 6 : i32
    %dma_wait3A_259 = arith.constant 0 : i32
    %dma_wait3A_260 = arith.constant 0 : i32
    %dma_wait3A_261 = tpu.memref_slice %arg6[%dma_wait3A_258, %dma_wait3A_259, %dma_wait3A_260] : memref<7x64x256xf32, #tpu.memory_space<vmem>> -> memref<1x64x256xf32, #tpu.memory_space<vmem>>
    %dma_wait3A_262 = tpu.memref_squeeze %dma_wait3A_261 : memref<1x64x256xf32, #tpu.memory_space<vmem>> -> memref<64x256xf32, #tpu.memory_space<vmem>>
    %dma_wait3A_263 = arith.constant 384 : i32
    %dma_wait3A_264 = tpu.memref_slice %arg5[%dma_wait3A_263] : memref<1024xi32, #tpu.memory_space<vmem>> -> memref<64xi32, #tpu.memory_space<vmem>>
    %dma_wait3A_265 = arith.constant 0 : i32
    %dma_wait3A_266 = arith.constant 0 : i32
    %dma_wait3A_267 = tpu.memref_slice %arg3[%dma_wait3A_265, %dma_wait3A_266] : memref<8192x256xf32, #tpu.memory_space<hbm>> -> memref<8192x256xf32, #tpu.memory_space<hbm>>
    tpu.wait_indirect_dma semaphore(%arg7 : memref<!tpu.dma_semaphore, #tpu.memory_space<semaphore_mem>>) src(%dma_wait3A_267 : memref<8192x256xf32, #tpu.memory_space<hbm>>) dst(%dma_wait3A_262 : memref<64x256xf32, #tpu.memory_space<vmem>>)
    %dma_start3A_268 = arith.constant 6 : i32
    %dma_start3A_269 = arith.constant 0 : i32
    %dma_start3A_270 = arith.constant 0 : i32
    %dma_start3A_271 = tpu.memref_slice %arg6[%dma_start3A_268, %dma_start3A_269, %dma_start3A_270] : memref<7x64x256xf32, #tpu.memory_space<vmem>> -> memref<1x64x256xf32, #tpu.memory_space<vmem>>
    %dma_start3A_272 = tpu.memref_squeeze %dma_start3A_271 : memref<1x64x256xf32, #tpu.memory_space<vmem>> -> memref<64x256xf32, #tpu.memory_space<vmem>>
    %dma_start3A_273 = arith.constant 384 : i32
    %dma_start3A_274 = arith.constant 0 : i32
    %dma_start3A_275 = tpu.memref_slice %arg4[%add3A, %dma_start3A_273, %dma_start3A_274] : memref<32x1024x256xf32, #tpu.memory_space<hbm>> -> memref<1x64x256xf32, #tpu.memory_space<hbm>>
    %dma_start3A_276 = tpu.memref_squeeze %dma_start3A_275 : memref<1x64x256xf32, #tpu.memory_space<hbm>> -> memref<64x256xf32, #tpu.memory_space<hbm>>
    %dma_start3A_277 = arith.constant 384 : i32
    %dma_start3A_278 = arith.constant 0 : i32
    %dma_start3A_279 = tpu.memref_slice %arg4[%add3A, %dma_start3A_277, %dma_start3A_278] : memref<32x1024x256xf32, #tpu.memory_space<hbm>> -> memref<1x64x256xf32, #tpu.memory_space<hbm>>
    %dma_start3A_280 = tpu.memref_squeeze %dma_start3A_279 : memref<1x64x256xf32, #tpu.memory_space<hbm>> -> memref<64x256xf32, #tpu.memory_space<hbm>>
    %dma_start3A_281 = arith.constant 0 : i32
    %dma_start3A_282 = arith.constant 0 : i32
    %dma_start3A_283 = tpu.memref_slice %arg6[%dma_start3A_268, %dma_start3A_281, %dma_start3A_282] : memref<7x64x256xf32, #tpu.memory_space<vmem>> -> memref<1x64x256xf32, #tpu.memory_space<vmem>>
    %dma_start3A_284 = tpu.memref_squeeze %dma_start3A_283 : memref<1x64x256xf32, #tpu.memory_space<vmem>> -> memref<64x256xf32, #tpu.memory_space<vmem>>
    tpu.enqueue_dma source(%dma_start3A_284 : memref<64x256xf32, #tpu.memory_space<vmem>>) target(%dma_start3A_280 : memref<64x256xf32, #tpu.memory_space<hbm>>) target_semaphore(%arg8 : memref<!tpu.dma_semaphore, #tpu.memory_space<semaphore_mem>>)
    %dma_wait3A_285 = arith.constant 1 : i32
    %dma_wait3A_286 = arith.constant 0 : i32
    %dma_wait3A_287 = arith.constant 0 : i32
    %dma_wait3A_288 = tpu.memref_slice %arg6[%dma_wait3A_285, %dma_wait3A_286, %dma_wait3A_287] : memref<7x64x256xf32, #tpu.memory_space<vmem>> -> memref<1x64x256xf32, #tpu.memory_space<vmem>>
    %dma_wait3A_289 = tpu.memref_squeeze %dma_wait3A_288 : memref<1x64x256xf32, #tpu.memory_space<vmem>> -> memref<64x256xf32, #tpu.memory_space<vmem>>
    %dma_wait3A_290 = arith.constant 64 : i32
    %dma_wait3A_291 = arith.constant 0 : i32
    %dma_wait3A_292 = tpu.memref_slice %arg4[%add3A, %dma_wait3A_290, %dma_wait3A_291] : memref<32x1024x256xf32, #tpu.memory_space<hbm>> -> memref<1x64x256xf32, #tpu.memory_space<hbm>>
    %dma_wait3A_293 = tpu.memref_squeeze %dma_wait3A_292 : memref<1x64x256xf32, #tpu.memory_space<hbm>> -> memref<64x256xf32, #tpu.memory_space<hbm>>
    %dma_wait3A_294 = arith.constant 64 : i32
    %dma_wait3A_295 = arith.constant 0 : i32
    %dma_wait3A_296 = tpu.memref_slice %arg4[%add3A, %dma_wait3A_294, %dma_wait3A_295] : memref<32x1024x256xf32, #tpu.memory_space<hbm>> -> memref<1x64x256xf32, #tpu.memory_space<hbm>>
    %dma_wait3A_297 = tpu.memref_squeeze %dma_wait3A_296 : memref<1x64x256xf32, #tpu.memory_space<hbm>> -> memref<64x256xf32, #tpu.memory_space<hbm>>
    %dma_wait3A_298 = arith.constant 0 : i32
    %dma_wait3A_299 = arith.constant 0 : i32
    %dma_wait3A_300 = tpu.memref_slice %arg6[%dma_wait3A_285, %dma_wait3A_298, %dma_wait3A_299] : memref<7x64x256xf32, #tpu.memory_space<vmem>> -> memref<1x64x256xf32, #tpu.memory_space<vmem>>
    %dma_wait3A_301 = tpu.memref_squeeze %dma_wait3A_300 : memref<1x64x256xf32, #tpu.memory_space<vmem>> -> memref<64x256xf32, #tpu.memory_space<vmem>>
    tpu.wait_dma2 semaphore(%arg8 : memref<!tpu.dma_semaphore, #tpu.memory_space<semaphore_mem>>) src(%dma_wait3A_301 : memref<64x256xf32, #tpu.memory_space<vmem>>) dst(%dma_wait3A_297 : memref<64x256xf32, #tpu.memory_space<hbm>>)
    %dma_start3A_302 = arith.constant 1 : i32
    %dma_start3A_303 = arith.constant 0 : i32
    %dma_start3A_304 = arith.constant 0 : i32
    %dma_start3A_305 = tpu.memref_slice %arg6[%dma_start3A_302, %dma_start3A_303, %dma_start3A_304] : memref<7x64x256xf32, #tpu.memory_space<vmem>> -> memref<1x64x256xf32, #tpu.memory_space<vmem>>
    %dma_start3A_306 = tpu.memref_squeeze %dma_start3A_305 : memref<1x64x256xf32, #tpu.memory_space<vmem>> -> memref<64x256xf32, #tpu.memory_space<vmem>>
    %dma_start3A_307 = arith.constant 512 : i32
    %dma_start3A_308 = tpu.memref_slice %arg5[%dma_start3A_307] : memref<1024xi32, #tpu.memory_space<vmem>> -> memref<64xi32, #tpu.memory_space<vmem>>
    %dma_start3A_309 = arith.constant 0 : i32
    %dma_start3A_310 = arith.constant 0 : i32
    %dma_start3A_311 = tpu.memref_slice %arg3[%dma_start3A_309, %dma_start3A_310] : memref<8192x256xf32, #tpu.memory_space<hbm>> -> memref<8192x256xf32, #tpu.memory_space<hbm>>
    tpu.enqueue_indirect_dma source(%dma_start3A_311 : memref<8192x256xf32, #tpu.memory_space<hbm>>) target(%dma_start3A_306 : memref<64x256xf32, #tpu.memory_space<vmem>>) offsets(%dma_start3A_308 : memref<64xi32, #tpu.memory_space<vmem>>) semaphore(%arg7 : memref<!tpu.dma_semaphore, #tpu.memory_space<semaphore_mem>>)
    %dma_wait3A_312 = arith.constant 0 : i32
    %dma_wait3A_313 = arith.constant 0 : i32
    %dma_wait3A_314 = arith.constant 0 : i32
    %dma_wait3A_315 = tpu.memref_slice %arg6[%dma_wait3A_312, %dma_wait3A_313, %dma_wait3A_314] : memref<7x64x256xf32, #tpu.memory_space<vmem>> -> memref<1x64x256xf32, #tpu.memory_space<vmem>>
    %dma_wait3A_316 = tpu.memref_squeeze %dma_wait3A_315 : memref<1x64x256xf32, #tpu.memory_space<vmem>> -> memref<64x256xf32, #tpu.memory_space<vmem>>
    %dma_wait3A_317 = arith.constant 448 : i32
    %dma_wait3A_318 = tpu.memref_slice %arg5[%dma_wait3A_317] : memref<1024xi32, #tpu.memory_space<vmem>> -> memref<64xi32, #tpu.memory_space<vmem>>
    %dma_wait3A_319 = arith.constant 0 : i32
    %dma_wait3A_320 = arith.constant 0 : i32
    %dma_wait3A_321 = tpu.memref_slice %arg3[%dma_wait3A_319, %dma_wait3A_320] : memref<8192x256xf32, #tpu.memory_space<hbm>> -> memref<8192x256xf32, #tpu.memory_space<hbm>>
    tpu.wait_indirect_dma semaphore(%arg7 : memref<!tpu.dma_semaphore, #tpu.memory_space<semaphore_mem>>) src(%dma_wait3A_321 : memref<8192x256xf32, #tpu.memory_space<hbm>>) dst(%dma_wait3A_316 : memref<64x256xf32, #tpu.memory_space<vmem>>)
    %dma_start3A_322 = arith.constant 0 : i32
    %dma_start3A_323 = arith.constant 0 : i32
    %dma_start3A_324 = arith.constant 0 : i32
    %dma_start3A_325 = tpu.memref_slice %arg6[%dma_start3A_322, %dma_start3A_323, %dma_start3A_324] : memref<7x64x256xf32, #tpu.memory_space<vmem>> -> memref<1x64x256xf32, #tpu.memory_space<vmem>>
    %dma_start3A_326 = tpu.memref_squeeze %dma_start3A_325 : memref<1x64x256xf32, #tpu.memory_space<vmem>> -> memref<64x256xf32, #tpu.memory_space<vmem>>
    %dma_start3A_327 = arith.constant 448 : i32
    %dma_start3A_328 = arith.constant 0 : i32
    %dma_start3A_329 = tpu.memref_slice %arg4[%add3A, %dma_start3A_327, %dma_start3A_328] : memref<32x1024x256xf32, #tpu.memory_space<hbm>> -> memref<1x64x256xf32, #tpu.memory_space<hbm>>
    %dma_start3A_330 = tpu.memref_squeeze %dma_start3A_329 : memref<1x64x256xf32, #tpu.memory_space<hbm>> -> memref<64x256xf32, #tpu.memory_space<hbm>>
    %dma_start3A_331 = arith.constant 448 : i32
    %dma_start3A_332 = arith.constant 0 : i32
    %dma_start3A_333 = tpu.memref_slice %arg4[%add3A, %dma_start3A_331, %dma_start3A_332] : memref<32x1024x256xf32, #tpu.memory_space<hbm>> -> memref<1x64x256xf32, #tpu.memory_space<hbm>>
    %dma_start3A_334 = tpu.memref_squeeze %dma_start3A_333 : memref<1x64x256xf32, #tpu.memory_space<hbm>> -> memref<64x256xf32, #tpu.memory_space<hbm>>
    %dma_start3A_335 = arith.constant 0 : i32
    %dma_start3A_336 = arith.constant 0 : i32
    %dma_start3A_337 = tpu.memref_slice %arg6[%dma_start3A_322, %dma_start3A_335, %dma_start3A_336] : memref<7x64x256xf32, #tpu.memory_space<vmem>> -> memref<1x64x256xf32, #tpu.memory_space<vmem>>
    %dma_start3A_338 = tpu.memref_squeeze %dma_start3A_337 : memref<1x64x256xf32, #tpu.memory_space<vmem>> -> memref<64x256xf32, #tpu.memory_space<vmem>>
    tpu.enqueue_dma source(%dma_start3A_338 : memref<64x256xf32, #tpu.memory_space<vmem>>) target(%dma_start3A_334 : memref<64x256xf32, #tpu.memory_space<hbm>>) target_semaphore(%arg8 : memref<!tpu.dma_semaphore, #tpu.memory_space<semaphore_mem>>)
    %dma_wait3A_339 = arith.constant 2 : i32
    %dma_wait3A_340 = arith.constant 0 : i32
    %dma_wait3A_341 = arith.constant 0 : i32
    %dma_wait3A_342 = tpu.memref_slice %arg6[%dma_wait3A_339, %dma_wait3A_340, %dma_wait3A_341] : memref<7x64x256xf32, #tpu.memory_space<vmem>> -> memref<1x64x256xf32, #tpu.memory_space<vmem>>
    %dma_wait3A_343 = tpu.memref_squeeze %dma_wait3A_342 : memref<1x64x256xf32, #tpu.memory_space<vmem>> -> memref<64x256xf32, #tpu.memory_space<vmem>>
    %dma_wait3A_344 = arith.constant 128 : i32
    %dma_wait3A_345 = arith.constant 0 : i32
    %dma_wait3A_346 = tpu.memref_slice %arg4[%add3A, %dma_wait3A_344, %dma_wait3A_345] : memref<32x1024x256xf32, #tpu.memory_space<hbm>> -> memref<1x64x256xf32, #tpu.memory_space<hbm>>
    %dma_wait3A_347 = tpu.memref_squeeze %dma_wait3A_346 : memref<1x64x256xf32, #tpu.memory_space<hbm>> -> memref<64x256xf32, #tpu.memory_space<hbm>>
    %dma_wait3A_348 = arith.constant 128 : i32
    %dma_wait3A_349 = arith.constant 0 : i32
    %dma_wait3A_350 = tpu.memref_slice %arg4[%add3A, %dma_wait3A_348, %dma_wait3A_349] : memref<32x1024x256xf32, #tpu.memory_space<hbm>> -> memref<1x64x256xf32, #tpu.memory_space<hbm>>
    %dma_wait3A_351 = tpu.memref_squeeze %dma_wait3A_350 : memref<1x64x256xf32, #tpu.memory_space<hbm>> -> memref<64x256xf32, #tpu.memory_space<hbm>>
    %dma_wait3A_352 = arith.constant 0 : i32
    %dma_wait3A_353 = arith.constant 0 : i32
    %dma_wait3A_354 = tpu.memref_slice %arg6[%dma_wait3A_339, %dma_wait3A_352, %dma_wait3A_353] : memref<7x64x256xf32, #tpu.memory_space<vmem>> -> memref<1x64x256xf32, #tpu.memory_space<vmem>>
    %dma_wait3A_355 = tpu.memref_squeeze %dma_wait3A_354 : memref<1x64x256xf32, #tpu.memory_space<vmem>> -> memref<64x256xf32, #tpu.memory_space<vmem>>
    tpu.wait_dma2 semaphore(%arg8 : memref<!tpu.dma_semaphore, #tpu.memory_space<semaphore_mem>>) src(%dma_wait3A_355 : memref<64x256xf32, #tpu.memory_space<vmem>>) dst(%dma_wait3A_351 : memref<64x256xf32, #tpu.memory_space<hbm>>)
    %dma_start3A_356 = arith.constant 2 : i32
    %dma_start3A_357 = arith.constant 0 : i32
    %dma_start3A_358 = arith.constant 0 : i32
    %dma_start3A_359 = tpu.memref_slice %arg6[%dma_start3A_356, %dma_start3A_357, %dma_start3A_358] : memref<7x64x256xf32, #tpu.memory_space<vmem>> -> memref<1x64x256xf32, #tpu.memory_space<vmem>>
    %dma_start3A_360 = tpu.memref_squeeze %dma_start3A_359 : memref<1x64x256xf32, #tpu.memory_space<vmem>> -> memref<64x256xf32, #tpu.memory_space<vmem>>
    %dma_start3A_361 = arith.constant 576 : i32
    %dma_start3A_362 = tpu.memref_slice %arg5[%dma_start3A_361] : memref<1024xi32, #tpu.memory_space<vmem>> -> memref<64xi32, #tpu.memory_space<vmem>>
    %dma_start3A_363 = arith.constant 0 : i32
    %dma_start3A_364 = arith.constant 0 : i32
    %dma_start3A_365 = tpu.memref_slice %arg3[%dma_start3A_363, %dma_start3A_364] : memref<8192x256xf32, #tpu.memory_space<hbm>> -> memref<8192x256xf32, #tpu.memory_space<hbm>>
    tpu.enqueue_indirect_dma source(%dma_start3A_365 : memref<8192x256xf32, #tpu.memory_space<hbm>>) target(%dma_start3A_360 : memref<64x256xf32, #tpu.memory_space<vmem>>) offsets(%dma_start3A_362 : memref<64xi32, #tpu.memory_space<vmem>>) semaphore(%arg7 : memref<!tpu.dma_semaphore, #tpu.memory_space<semaphore_mem>>)
    %dma_wait3A_366 = arith.constant 1 : i32
    %dma_wait3A_367 = arith.constant 0 : i32
    %dma_wait3A_368 = arith.constant 0 : i32
    %dma_wait3A_369 = tpu.memref_slice %arg6[%dma_wait3A_366, %dma_wait3A_367, %dma_wait3A_368] : memref<7x64x256xf32, #tpu.memory_space<vmem>> -> memref<1x64x256xf32, #tpu.memory_space<vmem>>
    %dma_wait3A_370 = tpu.memref_squeeze %dma_wait3A_369 : memref<1x64x256xf32, #tpu.memory_space<vmem>> -> memref<64x256xf32, #tpu.memory_space<vmem>>
    %dma_wait3A_371 = arith.constant 512 : i32
    %dma_wait3A_372 = tpu.memref_slice %arg5[%dma_wait3A_371] : memref<1024xi32, #tpu.memory_space<vmem>> -> memref<64xi32, #tpu.memory_space<vmem>>
    %dma_wait3A_373 = arith.constant 0 : i32
    %dma_wait3A_374 = arith.constant 0 : i32
    %dma_wait3A_375 = tpu.memref_slice %arg3[%dma_wait3A_373, %dma_wait3A_374] : memref<8192x256xf32, #tpu.memory_space<hbm>> -> memref<8192x256xf32, #tpu.memory_space<hbm>>
    tpu.wait_indirect_dma semaphore(%arg7 : memref<!tpu.dma_semaphore, #tpu.memory_space<semaphore_mem>>) src(%dma_wait3A_375 : memref<8192x256xf32, #tpu.memory_space<hbm>>) dst(%dma_wait3A_370 : memref<64x256xf32, #tpu.memory_space<vmem>>)
    %dma_start3A_376 = arith.constant 1 : i32
    %dma_start3A_377 = arith.constant 0 : i32
    %dma_start3A_378 = arith.constant 0 : i32
    %dma_start3A_379 = tpu.memref_slice %arg6[%dma_start3A_376, %dma_start3A_377, %dma_start3A_378] : memref<7x64x256xf32, #tpu.memory_space<vmem>> -> memref<1x64x256xf32, #tpu.memory_space<vmem>>
    %dma_start3A_380 = tpu.memref_squeeze %dma_start3A_379 : memref<1x64x256xf32, #tpu.memory_space<vmem>> -> memref<64x256xf32, #tpu.memory_space<vmem>>
    %dma_start3A_381 = arith.constant 512 : i32
    %dma_start3A_382 = arith.constant 0 : i32
    %dma_start3A_383 = tpu.memref_slice %arg4[%add3A, %dma_start3A_381, %dma_start3A_382] : memref<32x1024x256xf32, #tpu.memory_space<hbm>> -> memref<1x64x256xf32, #tpu.memory_space<hbm>>
    %dma_start3A_384 = tpu.memref_squeeze %dma_start3A_383 : memref<1x64x256xf32, #tpu.memory_space<hbm>> -> memref<64x256xf32, #tpu.memory_space<hbm>>
    %dma_start3A_385 = arith.constant 512 : i32
    %dma_start3A_386 = arith.constant 0 : i32
    %dma_start3A_387 = tpu.memref_slice %arg4[%add3A, %dma_start3A_385, %dma_start3A_386] : memref<32x1024x256xf32, #tpu.memory_space<hbm>> -> memref<1x64x256xf32, #tpu.memory_space<hbm>>
    %dma_start3A_388 = tpu.memref_squeeze %dma_start3A_387 : memref<1x64x256xf32, #tpu.memory_space<hbm>> -> memref<64x256xf32, #tpu.memory_space<hbm>>
    %dma_start3A_389 = arith.constant 0 : i32
    %dma_start3A_390 = arith.constant 0 : i32
    %dma_start3A_391 = tpu.memref_slice %arg6[%dma_start3A_376, %dma_start3A_389, %dma_start3A_390] : memref<7x64x256xf32, #tpu.memory_space<vmem>> -> memref<1x64x256xf32, #tpu.memory_space<vmem>>
    %dma_start3A_392 = tpu.memref_squeeze %dma_start3A_391 : memref<1x64x256xf32, #tpu.memory_space<vmem>> -> memref<64x256xf32, #tpu.memory_space<vmem>>
    tpu.enqueue_dma source(%dma_start3A_392 : memref<64x256xf32, #tpu.memory_space<vmem>>) target(%dma_start3A_388 : memref<64x256xf32, #tpu.memory_space<hbm>>) target_semaphore(%arg8 : memref<!tpu.dma_semaphore, #tpu.memory_space<semaphore_mem>>)
    %dma_wait3A_393 = arith.constant 3 : i32
    %dma_wait3A_394 = arith.constant 0 : i32
    %dma_wait3A_395 = arith.constant 0 : i32
    %dma_wait3A_396 = tpu.memref_slice %arg6[%dma_wait3A_393, %dma_wait3A_394, %dma_wait3A_395] : memref<7x64x256xf32, #tpu.memory_space<vmem>> -> memref<1x64x256xf32, #tpu.memory_space<vmem>>
    %dma_wait3A_397 = tpu.memref_squeeze %dma_wait3A_396 : memref<1x64x256xf32, #tpu.memory_space<vmem>> -> memref<64x256xf32, #tpu.memory_space<vmem>>
    %dma_wait3A_398 = arith.constant 192 : i32
    %dma_wait3A_399 = arith.constant 0 : i32
    %dma_wait3A_400 = tpu.memref_slice %arg4[%add3A, %dma_wait3A_398, %dma_wait3A_399] : memref<32x1024x256xf32, #tpu.memory_space<hbm>> -> memref<1x64x256xf32, #tpu.memory_space<hbm>>
    %dma_wait3A_401 = tpu.memref_squeeze %dma_wait3A_400 : memref<1x64x256xf32, #tpu.memory_space<hbm>> -> memref<64x256xf32, #tpu.memory_space<hbm>>
    %dma_wait3A_402 = arith.constant 192 : i32
    %dma_wait3A_403 = arith.constant 0 : i32
    %dma_wait3A_404 = tpu.memref_slice %arg4[%add3A, %dma_wait3A_402, %dma_wait3A_403] : memref<32x1024x256xf32, #tpu.memory_space<hbm>> -> memref<1x64x256xf32, #tpu.memory_space<hbm>>
    %dma_wait3A_405 = tpu.memref_squeeze %dma_wait3A_404 : memref<1x64x256xf32, #tpu.memory_space<hbm>> -> memref<64x256xf32, #tpu.memory_space<hbm>>
    %dma_wait3A_406 = arith.constant 0 : i32
    %dma_wait3A_407 = arith.constant 0 : i32
    %dma_wait3A_408 = tpu.memref_slice %arg6[%dma_wait3A_393, %dma_wait3A_406, %dma_wait3A_407] : memref<7x64x256xf32, #tpu.memory_space<vmem>> -> memref<1x64x256xf32, #tpu.memory_space<vmem>>
    %dma_wait3A_409 = tpu.memref_squeeze %dma_wait3A_408 : memref<1x64x256xf32, #tpu.memory_space<vmem>> -> memref<64x256xf32, #tpu.memory_space<vmem>>
    tpu.wait_dma2 semaphore(%arg8 : memref<!tpu.dma_semaphore, #tpu.memory_space<semaphore_mem>>) src(%dma_wait3A_409 : memref<64x256xf32, #tpu.memory_space<vmem>>) dst(%dma_wait3A_405 : memref<64x256xf32, #tpu.memory_space<hbm>>)
    %dma_start3A_410 = arith.constant 3 : i32
    %dma_start3A_411 = arith.constant 0 : i32
    %dma_start3A_412 = arith.constant 0 : i32
    %dma_start3A_413 = tpu.memref_slice %arg6[%dma_start3A_410, %dma_start3A_411, %dma_start3A_412] : memref<7x64x256xf32, #tpu.memory_space<vmem>> -> memref<1x64x256xf32, #tpu.memory_space<vmem>>
    %dma_start3A_414 = tpu.memref_squeeze %dma_start3A_413 : memref<1x64x256xf32, #tpu.memory_space<vmem>> -> memref<64x256xf32, #tpu.memory_space<vmem>>
    %dma_start3A_415 = arith.constant 640 : i32
    %dma_start3A_416 = tpu.memref_slice %arg5[%dma_start3A_415] : memref<1024xi32, #tpu.memory_space<vmem>> -> memref<64xi32, #tpu.memory_space<vmem>>
    %dma_start3A_417 = arith.constant 0 : i32
    %dma_start3A_418 = arith.constant 0 : i32
    %dma_start3A_419 = tpu.memref_slice %arg3[%dma_start3A_417, %dma_start3A_418] : memref<8192x256xf32, #tpu.memory_space<hbm>> -> memref<8192x256xf32, #tpu.memory_space<hbm>>
    tpu.enqueue_indirect_dma source(%dma_start3A_419 : memref<8192x256xf32, #tpu.memory_space<hbm>>) target(%dma_start3A_414 : memref<64x256xf32, #tpu.memory_space<vmem>>) offsets(%dma_start3A_416 : memref<64xi32, #tpu.memory_space<vmem>>) semaphore(%arg7 : memref<!tpu.dma_semaphore, #tpu.memory_space<semaphore_mem>>)
    %dma_wait3A_420 = arith.constant 2 : i32
    %dma_wait3A_421 = arith.constant 0 : i32
    %dma_wait3A_422 = arith.constant 0 : i32
    %dma_wait3A_423 = tpu.memref_slice %arg6[%dma_wait3A_420, %dma_wait3A_421, %dma_wait3A_422] : memref<7x64x256xf32, #tpu.memory_space<vmem>> -> memref<1x64x256xf32, #tpu.memory_space<vmem>>
    %dma_wait3A_424 = tpu.memref_squeeze %dma_wait3A_423 : memref<1x64x256xf32, #tpu.memory_space<vmem>> -> memref<64x256xf32, #tpu.memory_space<vmem>>
    %dma_wait3A_425 = arith.constant 576 : i32
    %dma_wait3A_426 = tpu.memref_slice %arg5[%dma_wait3A_425] : memref<1024xi32, #tpu.memory_space<vmem>> -> memref<64xi32, #tpu.memory_space<vmem>>
    %dma_wait3A_427 = arith.constant 0 : i32
    %dma_wait3A_428 = arith.constant 0 : i32
    %dma_wait3A_429 = tpu.memref_slice %arg3[%dma_wait3A_427, %dma_wait3A_428] : memref<8192x256xf32, #tpu.memory_space<hbm>> -> memref<8192x256xf32, #tpu.memory_space<hbm>>
    tpu.wait_indirect_dma semaphore(%arg7 : memref<!tpu.dma_semaphore, #tpu.memory_space<semaphore_mem>>) src(%dma_wait3A_429 : memref<8192x256xf32, #tpu.memory_space<hbm>>) dst(%dma_wait3A_424 : memref<64x256xf32, #tpu.memory_space<vmem>>)
    %dma_start3A_430 = arith.constant 2 : i32
    %dma_start3A_431 = arith.constant 0 : i32
    %dma_start3A_432 = arith.constant 0 : i32
    %dma_start3A_433 = tpu.memref_slice %arg6[%dma_start3A_430, %dma_start3A_431, %dma_start3A_432] : memref<7x64x256xf32, #tpu.memory_space<vmem>> -> memref<1x64x256xf32, #tpu.memory_space<vmem>>
    %dma_start3A_434 = tpu.memref_squeeze %dma_start3A_433 : memref<1x64x256xf32, #tpu.memory_space<vmem>> -> memref<64x256xf32, #tpu.memory_space<vmem>>
    %dma_start3A_435 = arith.constant 576 : i32
    %dma_start3A_436 = arith.constant 0 : i32
    %dma_start3A_437 = tpu.memref_slice %arg4[%add3A, %dma_start3A_435, %dma_start3A_436] : memref<32x1024x256xf32, #tpu.memory_space<hbm>> -> memref<1x64x256xf32, #tpu.memory_space<hbm>>
    %dma_start3A_438 = tpu.memref_squeeze %dma_start3A_437 : memref<1x64x256xf32, #tpu.memory_space<hbm>> -> memref<64x256xf32, #tpu.memory_space<hbm>>
    %dma_start3A_439 = arith.constant 576 : i32
    %dma_start3A_440 = arith.constant 0 : i32
    %dma_start3A_441 = tpu.memref_slice %arg4[%add3A, %dma_start3A_439, %dma_start3A_440] : memref<32x1024x256xf32, #tpu.memory_space<hbm>> -> memref<1x64x256xf32, #tpu.memory_space<hbm>>
    %dma_start3A_442 = tpu.memref_squeeze %dma_start3A_441 : memref<1x64x256xf32, #tpu.memory_space<hbm>> -> memref<64x256xf32, #tpu.memory_space<hbm>>
    %dma_start3A_443 = arith.constant 0 : i32
    %dma_start3A_444 = arith.constant 0 : i32
    %dma_start3A_445 = tpu.memref_slice %arg6[%dma_start3A_430, %dma_start3A_443, %dma_start3A_444] : memref<7x64x256xf32, #tpu.memory_space<vmem>> -> memref<1x64x256xf32, #tpu.memory_space<vmem>>
    %dma_start3A_446 = tpu.memref_squeeze %dma_start3A_445 : memref<1x64x256xf32, #tpu.memory_space<vmem>> -> memref<64x256xf32, #tpu.memory_space<vmem>>
    tpu.enqueue_dma source(%dma_start3A_446 : memref<64x256xf32, #tpu.memory_space<vmem>>) target(%dma_start3A_442 : memref<64x256xf32, #tpu.memory_space<hbm>>) target_semaphore(%arg8 : memref<!tpu.dma_semaphore, #tpu.memory_space<semaphore_mem>>)
    %dma_wait3A_447 = arith.constant 4 : i32
    %dma_wait3A_448 = arith.constant 0 : i32
    %dma_wait3A_449 = arith.constant 0 : i32
    %dma_wait3A_450 = tpu.memref_slice %arg6[%dma_wait3A_447, %dma_wait3A_448, %dma_wait3A_449] : memref<7x64x256xf32, #tpu.memory_space<vmem>> -> memref<1x64x256xf32, #tpu.memory_space<vmem>>
    %dma_wait3A_451 = tpu.memref_squeeze %dma_wait3A_450 : memref<1x64x256xf32, #tpu.memory_space<vmem>> -> memref<64x256xf32, #tpu.memory_space<vmem>>
    %dma_wait3A_452 = arith.constant 256 : i32
    %dma_wait3A_453 = arith.constant 0 : i32
    %dma_wait3A_454 = tpu.memref_slice %arg4[%add3A, %dma_wait3A_452, %dma_wait3A_453] : memref<32x1024x256xf32, #tpu.memory_space<hbm>> -> memref<1x64x256xf32, #tpu.memory_space<hbm>>
    %dma_wait3A_455 = tpu.memref_squeeze %dma_wait3A_454 : memref<1x64x256xf32, #tpu.memory_space<hbm>> -> memref<64x256xf32, #tpu.memory_space<hbm>>
    %dma_wait3A_456 = arith.constant 256 : i32
    %dma_wait3A_457 = arith.constant 0 : i32
    %dma_wait3A_458 = tpu.memref_slice %arg4[%add3A, %dma_wait3A_456, %dma_wait3A_457] : memref<32x1024x256xf32, #tpu.memory_space<hbm>> -> memref<1x64x256xf32, #tpu.memory_space<hbm>>
    %dma_wait3A_459 = tpu.memref_squeeze %dma_wait3A_458 : memref<1x64x256xf32, #tpu.memory_space<hbm>> -> memref<64x256xf32, #tpu.memory_space<hbm>>
    %dma_wait3A_460 = arith.constant 0 : i32
    %dma_wait3A_461 = arith.constant 0 : i32
    %dma_wait3A_462 = tpu.memref_slice %arg6[%dma_wait3A_447, %dma_wait3A_460, %dma_wait3A_461] : memref<7x64x256xf32, #tpu.memory_space<vmem>> -> memref<1x64x256xf32, #tpu.memory_space<vmem>>
    %dma_wait3A_463 = tpu.memref_squeeze %dma_wait3A_462 : memref<1x64x256xf32, #tpu.memory_space<vmem>> -> memref<64x256xf32, #tpu.memory_space<vmem>>
    tpu.wait_dma2 semaphore(%arg8 : memref<!tpu.dma_semaphore, #tpu.memory_space<semaphore_mem>>) src(%dma_wait3A_463 : memref<64x256xf32, #tpu.memory_space<vmem>>) dst(%dma_wait3A_459 : memref<64x256xf32, #tpu.memory_space<hbm>>)
    %dma_start3A_464 = arith.constant 4 : i32
    %dma_start3A_465 = arith.constant 0 : i32
    %dma_start3A_466 = arith.constant 0 : i32
    %dma_start3A_467 = tpu.memref_slice %arg6[%dma_start3A_464, %dma_start3A_465, %dma_start3A_466] : memref<7x64x256xf32, #tpu.memory_space<vmem>> -> memref<1x64x256xf32, #tpu.memory_space<vmem>>
    %dma_start3A_468 = tpu.memref_squeeze %dma_start3A_467 : memref<1x64x256xf32, #tpu.memory_space<vmem>> -> memref<64x256xf32, #tpu.memory_space<vmem>>
    %dma_start3A_469 = arith.constant 704 : i32
    %dma_start3A_470 = tpu.memref_slice %arg5[%dma_start3A_469] : memref<1024xi32, #tpu.memory_space<vmem>> -> memref<64xi32, #tpu.memory_space<vmem>>
    %dma_start3A_471 = arith.constant 0 : i32
    %dma_start3A_472 = arith.constant 0 : i32
    %dma_start3A_473 = tpu.memref_slice %arg3[%dma_start3A_471, %dma_start3A_472] : memref<8192x256xf32, #tpu.memory_space<hbm>> -> memref<8192x256xf32, #tpu.memory_space<hbm>>
    tpu.enqueue_indirect_dma source(%dma_start3A_473 : memref<8192x256xf32, #tpu.memory_space<hbm>>) target(%dma_start3A_468 : memref<64x256xf32, #tpu.memory_space<vmem>>) offsets(%dma_start3A_470 : memref<64xi32, #tpu.memory_space<vmem>>) semaphore(%arg7 : memref<!tpu.dma_semaphore, #tpu.memory_space<semaphore_mem>>)
    %dma_wait3A_474 = arith.constant 3 : i32
    %dma_wait3A_475 = arith.constant 0 : i32
    %dma_wait3A_476 = arith.constant 0 : i32
    %dma_wait3A_477 = tpu.memref_slice %arg6[%dma_wait3A_474, %dma_wait3A_475, %dma_wait3A_476] : memref<7x64x256xf32, #tpu.memory_space<vmem>> -> memref<1x64x256xf32, #tpu.memory_space<vmem>>
    %dma_wait3A_478 = tpu.memref_squeeze %dma_wait3A_477 : memref<1x64x256xf32, #tpu.memory_space<vmem>> -> memref<64x256xf32, #tpu.memory_space<vmem>>
    %dma_wait3A_479 = arith.constant 640 : i32
    %dma_wait3A_480 = tpu.memref_slice %arg5[%dma_wait3A_479] : memref<1024xi32, #tpu.memory_space<vmem>> -> memref<64xi32, #tpu.memory_space<vmem>>
    %dma_wait3A_481 = arith.constant 0 : i32
    %dma_wait3A_482 = arith.constant 0 : i32
    %dma_wait3A_483 = tpu.memref_slice %arg3[%dma_wait3A_481, %dma_wait3A_482] : memref<8192x256xf32, #tpu.memory_space<hbm>> -> memref<8192x256xf32, #tpu.memory_space<hbm>>
    tpu.wait_indirect_dma semaphore(%arg7 : memref<!tpu.dma_semaphore, #tpu.memory_space<semaphore_mem>>) src(%dma_wait3A_483 : memref<8192x256xf32, #tpu.memory_space<hbm>>) dst(%dma_wait3A_478 : memref<64x256xf32, #tpu.memory_space<vmem>>)
    %dma_start3A_484 = arith.constant 3 : i32
    %dma_start3A_485 = arith.constant 0 : i32
    %dma_start3A_486 = arith.constant 0 : i32
    %dma_start3A_487 = tpu.memref_slice %arg6[%dma_start3A_484, %dma_start3A_485, %dma_start3A_486] : memref<7x64x256xf32, #tpu.memory_space<vmem>> -> memref<1x64x256xf32, #tpu.memory_space<vmem>>
    %dma_start3A_488 = tpu.memref_squeeze %dma_start3A_487 : memref<1x64x256xf32, #tpu.memory_space<vmem>> -> memref<64x256xf32, #tpu.memory_space<vmem>>
    %dma_start3A_489 = arith.constant 640 : i32
    %dma_start3A_490 = arith.constant 0 : i32
    %dma_start3A_491 = tpu.memref_slice %arg4[%add3A, %dma_start3A_489, %dma_start3A_490] : memref<32x1024x256xf32, #tpu.memory_space<hbm>> -> memref<1x64x256xf32, #tpu.memory_space<hbm>>
    %dma_start3A_492 = tpu.memref_squeeze %dma_start3A_491 : memref<1x64x256xf32, #tpu.memory_space<hbm>> -> memref<64x256xf32, #tpu.memory_space<hbm>>
    %dma_start3A_493 = arith.constant 640 : i32
    %dma_start3A_494 = arith.constant 0 : i32
    %dma_start3A_495 = tpu.memref_slice %arg4[%add3A, %dma_start3A_493, %dma_start3A_494] : memref<32x1024x256xf32, #tpu.memory_space<hbm>> -> memref<1x64x256xf32, #tpu.memory_space<hbm>>
    %dma_start3A_496 = tpu.memref_squeeze %dma_start3A_495 : memref<1x64x256xf32, #tpu.memory_space<hbm>> -> memref<64x256xf32, #tpu.memory_space<hbm>>
    %dma_start3A_497 = arith.constant 0 : i32
    %dma_start3A_498 = arith.constant 0 : i32
    %dma_start3A_499 = tpu.memref_slice %arg6[%dma_start3A_484, %dma_start3A_497, %dma_start3A_498] : memref<7x64x256xf32, #tpu.memory_space<vmem>> -> memref<1x64x256xf32, #tpu.memory_space<vmem>>
    %dma_start3A_500 = tpu.memref_squeeze %dma_start3A_499 : memref<1x64x256xf32, #tpu.memory_space<vmem>> -> memref<64x256xf32, #tpu.memory_space<vmem>>
    tpu.enqueue_dma source(%dma_start3A_500 : memref<64x256xf32, #tpu.memory_space<vmem>>) target(%dma_start3A_496 : memref<64x256xf32, #tpu.memory_space<hbm>>) target_semaphore(%arg8 : memref<!tpu.dma_semaphore, #tpu.memory_space<semaphore_mem>>)
    %dma_wait3A_501 = arith.constant 5 : i32
    %dma_wait3A_502 = arith.constant 0 : i32
    %dma_wait3A_503 = arith.constant 0 : i32
    %dma_wait3A_504 = tpu.memref_slice %arg6[%dma_wait3A_501, %dma_wait3A_502, %dma_wait3A_503] : memref<7x64x256xf32, #tpu.memory_space<vmem>> -> memref<1x64x256xf32, #tpu.memory_space<vmem>>
    %dma_wait3A_505 = tpu.memref_squeeze %dma_wait3A_504 : memref<1x64x256xf32, #tpu.memory_space<vmem>> -> memref<64x256xf32, #tpu.memory_space<vmem>>
    %dma_wait3A_506 = arith.constant 320 : i32
    %dma_wait3A_507 = arith.constant 0 : i32
    %dma_wait3A_508 = tpu.memref_slice %arg4[%add3A, %dma_wait3A_506, %dma_wait3A_507] : memref<32x1024x256xf32, #tpu.memory_space<hbm>> -> memref<1x64x256xf32, #tpu.memory_space<hbm>>
    %dma_wait3A_509 = tpu.memref_squeeze %dma_wait3A_508 : memref<1x64x256xf32, #tpu.memory_space<hbm>> -> memref<64x256xf32, #tpu.memory_space<hbm>>
    %dma_wait3A_510 = arith.constant 320 : i32
    %dma_wait3A_511 = arith.constant 0 : i32
    %dma_wait3A_512 = tpu.memref_slice %arg4[%add3A, %dma_wait3A_510, %dma_wait3A_511] : memref<32x1024x256xf32, #tpu.memory_space<hbm>> -> memref<1x64x256xf32, #tpu.memory_space<hbm>>
    %dma_wait3A_513 = tpu.memref_squeeze %dma_wait3A_512 : memref<1x64x256xf32, #tpu.memory_space<hbm>> -> memref<64x256xf32, #tpu.memory_space<hbm>>
    %dma_wait3A_514 = arith.constant 0 : i32
    %dma_wait3A_515 = arith.constant 0 : i32
    %dma_wait3A_516 = tpu.memref_slice %arg6[%dma_wait3A_501, %dma_wait3A_514, %dma_wait3A_515] : memref<7x64x256xf32, #tpu.memory_space<vmem>> -> memref<1x64x256xf32, #tpu.memory_space<vmem>>
    %dma_wait3A_517 = tpu.memref_squeeze %dma_wait3A_516 : memref<1x64x256xf32, #tpu.memory_space<vmem>> -> memref<64x256xf32, #tpu.memory_space<vmem>>
    tpu.wait_dma2 semaphore(%arg8 : memref<!tpu.dma_semaphore, #tpu.memory_space<semaphore_mem>>) src(%dma_wait3A_517 : memref<64x256xf32, #tpu.memory_space<vmem>>) dst(%dma_wait3A_513 : memref<64x256xf32, #tpu.memory_space<hbm>>)
    %dma_start3A_518 = arith.constant 5 : i32
    %dma_start3A_519 = arith.constant 0 : i32
    %dma_start3A_520 = arith.constant 0 : i32
    %dma_start3A_521 = tpu.memref_slice %arg6[%dma_start3A_518, %dma_start3A_519, %dma_start3A_520] : memref<7x64x256xf32, #tpu.memory_space<vmem>> -> memref<1x64x256xf32, #tpu.memory_space<vmem>>
    %dma_start3A_522 = tpu.memref_squeeze %dma_start3A_521 : memref<1x64x256xf32, #tpu.memory_space<vmem>> -> memref<64x256xf32, #tpu.memory_space<vmem>>
    %dma_start3A_523 = arith.constant 768 : i32
    %dma_start3A_524 = tpu.memref_slice %arg5[%dma_start3A_523] : memref<1024xi32, #tpu.memory_space<vmem>> -> memref<64xi32, #tpu.memory_space<vmem>>
    %dma_start3A_525 = arith.constant 0 : i32
    %dma_start3A_526 = arith.constant 0 : i32
    %dma_start3A_527 = tpu.memref_slice %arg3[%dma_start3A_525, %dma_start3A_526] : memref<8192x256xf32, #tpu.memory_space<hbm>> -> memref<8192x256xf32, #tpu.memory_space<hbm>>
    tpu.enqueue_indirect_dma source(%dma_start3A_527 : memref<8192x256xf32, #tpu.memory_space<hbm>>) target(%dma_start3A_522 : memref<64x256xf32, #tpu.memory_space<vmem>>) offsets(%dma_start3A_524 : memref<64xi32, #tpu.memory_space<vmem>>) semaphore(%arg7 : memref<!tpu.dma_semaphore, #tpu.memory_space<semaphore_mem>>)
    %dma_wait3A_528 = arith.constant 4 : i32
    %dma_wait3A_529 = arith.constant 0 : i32
    %dma_wait3A_530 = arith.constant 0 : i32
    %dma_wait3A_531 = tpu.memref_slice %arg6[%dma_wait3A_528, %dma_wait3A_529, %dma_wait3A_530] : memref<7x64x256xf32, #tpu.memory_space<vmem>> -> memref<1x64x256xf32, #tpu.memory_space<vmem>>
    %dma_wait3A_532 = tpu.memref_squeeze %dma_wait3A_531 : memref<1x64x256xf32, #tpu.memory_space<vmem>> -> memref<64x256xf32, #tpu.memory_space<vmem>>
    %dma_wait3A_533 = arith.constant 704 : i32
    %dma_wait3A_534 = tpu.memref_slice %arg5[%dma_wait3A_533] : memref<1024xi32, #tpu.memory_space<vmem>> -> memref<64xi32, #tpu.memory_space<vmem>>
    %dma_wait3A_535 = arith.constant 0 : i32
    %dma_wait3A_536 = arith.constant 0 : i32
    %dma_wait3A_537 = tpu.memref_slice %arg3[%dma_wait3A_535, %dma_wait3A_536] : memref<8192x256xf32, #tpu.memory_space<hbm>> -> memref<8192x256xf32, #tpu.memory_space<hbm>>
    tpu.wait_indirect_dma semaphore(%arg7 : memref<!tpu.dma_semaphore, #tpu.memory_space<semaphore_mem>>) src(%dma_wait3A_537 : memref<8192x256xf32, #tpu.memory_space<hbm>>) dst(%dma_wait3A_532 : memref<64x256xf32, #tpu.memory_space<vmem>>)
    %dma_start3A_538 = arith.constant 4 : i32
    %dma_start3A_539 = arith.constant 0 : i32
    %dma_start3A_540 = arith.constant 0 : i32
    %dma_start3A_541 = tpu.memref_slice %arg6[%dma_start3A_538, %dma_start3A_539, %dma_start3A_540] : memref<7x64x256xf32, #tpu.memory_space<vmem>> -> memref<1x64x256xf32, #tpu.memory_space<vmem>>
    %dma_start3A_542 = tpu.memref_squeeze %dma_start3A_541 : memref<1x64x256xf32, #tpu.memory_space<vmem>> -> memref<64x256xf32, #tpu.memory_space<vmem>>
    %dma_start3A_543 = arith.constant 704 : i32
    %dma_start3A_544 = arith.constant 0 : i32
    %dma_start3A_545 = tpu.memref_slice %arg4[%add3A, %dma_start3A_543, %dma_start3A_544] : memref<32x1024x256xf32, #tpu.memory_space<hbm>> -> memref<1x64x256xf32, #tpu.memory_space<hbm>>
    %dma_start3A_546 = tpu.memref_squeeze %dma_start3A_545 : memref<1x64x256xf32, #tpu.memory_space<hbm>> -> memref<64x256xf32, #tpu.memory_space<hbm>>
    %dma_start3A_547 = arith.constant 704 : i32
    %dma_start3A_548 = arith.constant 0 : i32
    %dma_start3A_549 = tpu.memref_slice %arg4[%add3A, %dma_start3A_547, %dma_start3A_548] : memref<32x1024x256xf32, #tpu.memory_space<hbm>> -> memref<1x64x256xf32, #tpu.memory_space<hbm>>
    %dma_start3A_550 = tpu.memref_squeeze %dma_start3A_549 : memref<1x64x256xf32, #tpu.memory_space<hbm>> -> memref<64x256xf32, #tpu.memory_space<hbm>>
    %dma_start3A_551 = arith.constant 0 : i32
    %dma_start3A_552 = arith.constant 0 : i32
    %dma_start3A_553 = tpu.memref_slice %arg6[%dma_start3A_538, %dma_start3A_551, %dma_start3A_552] : memref<7x64x256xf32, #tpu.memory_space<vmem>> -> memref<1x64x256xf32, #tpu.memory_space<vmem>>
    %dma_start3A_554 = tpu.memref_squeeze %dma_start3A_553 : memref<1x64x256xf32, #tpu.memory_space<vmem>> -> memref<64x256xf32, #tpu.memory_space<vmem>>
    tpu.enqueue_dma source(%dma_start3A_554 : memref<64x256xf32, #tpu.memory_space<vmem>>) target(%dma_start3A_550 : memref<64x256xf32, #tpu.memory_space<hbm>>) target_semaphore(%arg8 : memref<!tpu.dma_semaphore, #tpu.memory_space<semaphore_mem>>)
    %dma_wait3A_555 = arith.constant 6 : i32
    %dma_wait3A_556 = arith.constant 0 : i32
    %dma_wait3A_557 = arith.constant 0 : i32
    %dma_wait3A_558 = tpu.memref_slice %arg6[%dma_wait3A_555, %dma_wait3A_556, %dma_wait3A_557] : memref<7x64x256xf32, #tpu.memory_space<vmem>> -> memref<1x64x256xf32, #tpu.memory_space<vmem>>
    %dma_wait3A_559 = tpu.memref_squeeze %dma_wait3A_558 : memref<1x64x256xf32, #tpu.memory_space<vmem>> -> memref<64x256xf32, #tpu.memory_space<vmem>>
    %dma_wait3A_560 = arith.constant 384 : i32
    %dma_wait3A_561 = arith.constant 0 : i32
    %dma_wait3A_562 = tpu.memref_slice %arg4[%add3A, %dma_wait3A_560, %dma_wait3A_561] : memref<32x1024x256xf32, #tpu.memory_space<hbm>> -> memref<1x64x256xf32, #tpu.memory_space<hbm>>
    %dma_wait3A_563 = tpu.memref_squeeze %dma_wait3A_562 : memref<1x64x256xf32, #tpu.memory_space<hbm>> -> memref<64x256xf32, #tpu.memory_space<hbm>>
    %dma_wait3A_564 = arith.constant 384 : i32
    %dma_wait3A_565 = arith.constant 0 : i32
    %dma_wait3A_566 = tpu.memref_slice %arg4[%add3A, %dma_wait3A_564, %dma_wait3A_565] : memref<32x1024x256xf32, #tpu.memory_space<hbm>> -> memref<1x64x256xf32, #tpu.memory_space<hbm>>
    %dma_wait3A_567 = tpu.memref_squeeze %dma_wait3A_566 : memref<1x64x256xf32, #tpu.memory_space<hbm>> -> memref<64x256xf32, #tpu.memory_space<hbm>>
    %dma_wait3A_568 = arith.constant 0 : i32
    %dma_wait3A_569 = arith.constant 0 : i32
    %dma_wait3A_570 = tpu.memref_slice %arg6[%dma_wait3A_555, %dma_wait3A_568, %dma_wait3A_569] : memref<7x64x256xf32, #tpu.memory_space<vmem>> -> memref<1x64x256xf32, #tpu.memory_space<vmem>>
    %dma_wait3A_571 = tpu.memref_squeeze %dma_wait3A_570 : memref<1x64x256xf32, #tpu.memory_space<vmem>> -> memref<64x256xf32, #tpu.memory_space<vmem>>
    tpu.wait_dma2 semaphore(%arg8 : memref<!tpu.dma_semaphore, #tpu.memory_space<semaphore_mem>>) src(%dma_wait3A_571 : memref<64x256xf32, #tpu.memory_space<vmem>>) dst(%dma_wait3A_567 : memref<64x256xf32, #tpu.memory_space<hbm>>)
    %dma_start3A_572 = arith.constant 6 : i32
    %dma_start3A_573 = arith.constant 0 : i32
    %dma_start3A_574 = arith.constant 0 : i32
    %dma_start3A_575 = tpu.memref_slice %arg6[%dma_start3A_572, %dma_start3A_573, %dma_start3A_574] : memref<7x64x256xf32, #tpu.memory_space<vmem>> -> memref<1x64x256xf32, #tpu.memory_space<vmem>>
    %dma_start3A_576 = tpu.memref_squeeze %dma_start3A_575 : memref<1x64x256xf32, #tpu.memory_space<vmem>> -> memref<64x256xf32, #tpu.memory_space<vmem>>
    %dma_start3A_577 = arith.constant 832 : i32
    %dma_start3A_578 = tpu.memref_slice %arg5[%dma_start3A_577] : memref<1024xi32, #tpu.memory_space<vmem>> -> memref<64xi32, #tpu.memory_space<vmem>>
    %dma_start3A_579 = arith.constant 0 : i32
    %dma_start3A_580 = arith.constant 0 : i32
    %dma_start3A_581 = tpu.memref_slice %arg3[%dma_start3A_579, %dma_start3A_580] : memref<8192x256xf32, #tpu.memory_space<hbm>> -> memref<8192x256xf32, #tpu.memory_space<hbm>>
    tpu.enqueue_indirect_dma source(%dma_start3A_581 : memref<8192x256xf32, #tpu.memory_space<hbm>>) target(%dma_start3A_576 : memref<64x256xf32, #tpu.memory_space<vmem>>) offsets(%dma_start3A_578 : memref<64xi32, #tpu.memory_space<vmem>>) semaphore(%arg7 : memref<!tpu.dma_semaphore, #tpu.memory_space<semaphore_mem>>)
    %dma_wait3A_582 = arith.constant 5 : i32
    %dma_wait3A_583 = arith.constant 0 : i32
    %dma_wait3A_584 = arith.constant 0 : i32
    %dma_wait3A_585 = tpu.memref_slice %arg6[%dma_wait3A_582, %dma_wait3A_583, %dma_wait3A_584] : memref<7x64x256xf32, #tpu.memory_space<vmem>> -> memref<1x64x256xf32, #tpu.memory_space<vmem>>
    %dma_wait3A_586 = tpu.memref_squeeze %dma_wait3A_585 : memref<1x64x256xf32, #tpu.memory_space<vmem>> -> memref<64x256xf32, #tpu.memory_space<vmem>>
    %dma_wait3A_587 = arith.constant 768 : i32
    %dma_wait3A_588 = tpu.memref_slice %arg5[%dma_wait3A_587] : memref<1024xi32, #tpu.memory_space<vmem>> -> memref<64xi32, #tpu.memory_space<vmem>>
    %dma_wait3A_589 = arith.constant 0 : i32
    %dma_wait3A_590 = arith.constant 0 : i32
    %dma_wait3A_591 = tpu.memref_slice %arg3[%dma_wait3A_589, %dma_wait3A_590] : memref<8192x256xf32, #tpu.memory_space<hbm>> -> memref<8192x256xf32, #tpu.memory_space<hbm>>
    tpu.wait_indirect_dma semaphore(%arg7 : memref<!tpu.dma_semaphore, #tpu.memory_space<semaphore_mem>>) src(%dma_wait3A_591 : memref<8192x256xf32, #tpu.memory_space<hbm>>) dst(%dma_wait3A_586 : memref<64x256xf32, #tpu.memory_space<vmem>>)
    %dma_start3A_592 = arith.constant 5 : i32
    %dma_start3A_593 = arith.constant 0 : i32
    %dma_start3A_594 = arith.constant 0 : i32
    %dma_start3A_595 = tpu.memref_slice %arg6[%dma_start3A_592, %dma_start3A_593, %dma_start3A_594] : memref<7x64x256xf32, #tpu.memory_space<vmem>> -> memref<1x64x256xf32, #tpu.memory_space<vmem>>
    %dma_start3A_596 = tpu.memref_squeeze %dma_start3A_595 : memref<1x64x256xf32, #tpu.memory_space<vmem>> -> memref<64x256xf32, #tpu.memory_space<vmem>>
    %dma_start3A_597 = arith.constant 768 : i32
    %dma_start3A_598 = arith.constant 0 : i32
    %dma_start3A_599 = tpu.memref_slice %arg4[%add3A, %dma_start3A_597, %dma_start3A_598] : memref<32x1024x256xf32, #tpu.memory_space<hbm>> -> memref<1x64x256xf32, #tpu.memory_space<hbm>>
    %dma_start3A_600 = tpu.memref_squeeze %dma_start3A_599 : memref<1x64x256xf32, #tpu.memory_space<hbm>> -> memref<64x256xf32, #tpu.memory_space<hbm>>
    %dma_start3A_601 = arith.constant 768 : i32
    %dma_start3A_602 = arith.constant 0 : i32
    %dma_start3A_603 = tpu.memref_slice %arg4[%add3A, %dma_start3A_601, %dma_start3A_602] : memref<32x1024x256xf32, #tpu.memory_space<hbm>> -> memref<1x64x256xf32, #tpu.memory_space<hbm>>
    %dma_start3A_604 = tpu.memref_squeeze %dma_start3A_603 : memref<1x64x256xf32, #tpu.memory_space<hbm>> -> memref<64x256xf32, #tpu.memory_space<hbm>>
    %dma_start3A_605 = arith.constant 0 : i32
    %dma_start3A_606 = arith.constant 0 : i32
    %dma_start3A_607 = tpu.memref_slice %arg6[%dma_start3A_592, %dma_start3A_605, %dma_start3A_606] : memref<7x64x256xf32, #tpu.memory_space<vmem>> -> memref<1x64x256xf32, #tpu.memory_space<vmem>>
    %dma_start3A_608 = tpu.memref_squeeze %dma_start3A_607 : memref<1x64x256xf32, #tpu.memory_space<vmem>> -> memref<64x256xf32, #tpu.memory_space<vmem>>
    tpu.enqueue_dma source(%dma_start3A_608 : memref<64x256xf32, #tpu.memory_space<vmem>>) target(%dma_start3A_604 : memref<64x256xf32, #tpu.memory_space<hbm>>) target_semaphore(%arg8 : memref<!tpu.dma_semaphore, #tpu.memory_space<semaphore_mem>>)
    %dma_wait3A_609 = arith.constant 0 : i32
    %dma_wait3A_610 = arith.constant 0 : i32
    %dma_wait3A_611 = arith.constant 0 : i32
    %dma_wait3A_612 = tpu.memref_slice %arg6[%dma_wait3A_609, %dma_wait3A_610, %dma_wait3A_611] : memref<7x64x256xf32, #tpu.memory_space<vmem>> -> memref<1x64x256xf32, #tpu.memory_space<vmem>>
    %dma_wait3A_613 = tpu.memref_squeeze %dma_wait3A_612 : memref<1x64x256xf32, #tpu.memory_space<vmem>> -> memref<64x256xf32, #tpu.memory_space<vmem>>
    %dma_wait3A_614 = arith.constant 448 : i32
    %dma_wait3A_615 = arith.constant 0 : i32
    %dma_wait3A_616 = tpu.memref_slice %arg4[%add3A, %dma_wait3A_614, %dma_wait3A_615] : memref<32x1024x256xf32, #tpu.memory_space<hbm>> -> memref<1x64x256xf32, #tpu.memory_space<hbm>>
    %dma_wait3A_617 = tpu.memref_squeeze %dma_wait3A_616 : memref<1x64x256xf32, #tpu.memory_space<hbm>> -> memref<64x256xf32, #tpu.memory_space<hbm>>
    %dma_wait3A_618 = arith.constant 448 : i32
    %dma_wait3A_619 = arith.constant 0 : i32
    %dma_wait3A_620 = tpu.memref_slice %arg4[%add3A, %dma_wait3A_618, %dma_wait3A_619] : memref<32x1024x256xf32, #tpu.memory_space<hbm>> -> memref<1x64x256xf32, #tpu.memory_space<hbm>>
    %dma_wait3A_621 = tpu.memref_squeeze %dma_wait3A_620 : memref<1x64x256xf32, #tpu.memory_space<hbm>> -> memref<64x256xf32, #tpu.memory_space<hbm>>
    %dma_wait3A_622 = arith.constant 0 : i32
    %dma_wait3A_623 = arith.constant 0 : i32
    %dma_wait3A_624 = tpu.memref_slice %arg6[%dma_wait3A_609, %dma_wait3A_622, %dma_wait3A_623] : memref<7x64x256xf32, #tpu.memory_space<vmem>> -> memref<1x64x256xf32, #tpu.memory_space<vmem>>
    %dma_wait3A_625 = tpu.memref_squeeze %dma_wait3A_624 : memref<1x64x256xf32, #tpu.memory_space<vmem>> -> memref<64x256xf32, #tpu.memory_space<vmem>>
    tpu.wait_dma2 semaphore(%arg8 : memref<!tpu.dma_semaphore, #tpu.memory_space<semaphore_mem>>) src(%dma_wait3A_625 : memref<64x256xf32, #tpu.memory_space<vmem>>) dst(%dma_wait3A_621 : memref<64x256xf32, #tpu.memory_space<hbm>>)
    %dma_start3A_626 = arith.constant 0 : i32
    %dma_start3A_627 = arith.constant 0 : i32
    %dma_start3A_628 = arith.constant 0 : i32
    %dma_start3A_629 = tpu.memref_slice %arg6[%dma_start3A_626, %dma_start3A_627, %dma_start3A_628] : memref<7x64x256xf32, #tpu.memory_space<vmem>> -> memref<1x64x256xf32, #tpu.memory_space<vmem>>
    %dma_start3A_630 = tpu.memref_squeeze %dma_start3A_629 : memref<1x64x256xf32, #tpu.memory_space<vmem>> -> memref<64x256xf32, #tpu.memory_space<vmem>>
    %dma_start3A_631 = arith.constant 896 : i32
    %dma_start3A_632 = tpu.memref_slice %arg5[%dma_start3A_631] : memref<1024xi32, #tpu.memory_space<vmem>> -> memref<64xi32, #tpu.memory_space<vmem>>
    %dma_start3A_633 = arith.constant 0 : i32
    %dma_start3A_634 = arith.constant 0 : i32
    %dma_start3A_635 = tpu.memref_slice %arg3[%dma_start3A_633, %dma_start3A_634] : memref<8192x256xf32, #tpu.memory_space<hbm>> -> memref<8192x256xf32, #tpu.memory_space<hbm>>
    tpu.enqueue_indirect_dma source(%dma_start3A_635 : memref<8192x256xf32, #tpu.memory_space<hbm>>) target(%dma_start3A_630 : memref<64x256xf32, #tpu.memory_space<vmem>>) offsets(%dma_start3A_632 : memref<64xi32, #tpu.memory_space<vmem>>) semaphore(%arg7 : memref<!tpu.dma_semaphore, #tpu.memory_space<semaphore_mem>>)
    %dma_wait3A_636 = arith.constant 6 : i32
    %dma_wait3A_637 = arith.constant 0 : i32
    %dma_wait3A_638 = arith.constant 0 : i32
    %dma_wait3A_639 = tpu.memref_slice %arg6[%dma_wait3A_636, %dma_wait3A_637, %dma_wait3A_638] : memref<7x64x256xf32, #tpu.memory_space<vmem>> -> memref<1x64x256xf32, #tpu.memory_space<vmem>>
    %dma_wait3A_640 = tpu.memref_squeeze %dma_wait3A_639 : memref<1x64x256xf32, #tpu.memory_space<vmem>> -> memref<64x256xf32, #tpu.memory_space<vmem>>
    %dma_wait3A_641 = arith.constant 832 : i32
    %dma_wait3A_642 = tpu.memref_slice %arg5[%dma_wait3A_641] : memref<1024xi32, #tpu.memory_space<vmem>> -> memref<64xi32, #tpu.memory_space<vmem>>
    %dma_wait3A_643 = arith.constant 0 : i32
    %dma_wait3A_644 = arith.constant 0 : i32
    %dma_wait3A_645 = tpu.memref_slice %arg3[%dma_wait3A_643, %dma_wait3A_644] : memref<8192x256xf32, #tpu.memory_space<hbm>> -> memref<8192x256xf32, #tpu.memory_space<hbm>>
    tpu.wait_indirect_dma semaphore(%arg7 : memref<!tpu.dma_semaphore, #tpu.memory_space<semaphore_mem>>) src(%dma_wait3A_645 : memref<8192x256xf32, #tpu.memory_space<hbm>>) dst(%dma_wait3A_640 : memref<64x256xf32, #tpu.memory_space<vmem>>)
    %dma_start3A_646 = arith.constant 6 : i32
    %dma_start3A_647 = arith.constant 0 : i32
    %dma_start3A_648 = arith.constant 0 : i32
    %dma_start3A_649 = tpu.memref_slice %arg6[%dma_start3A_646, %dma_start3A_647, %dma_start3A_648] : memref<7x64x256xf32, #tpu.memory_space<vmem>> -> memref<1x64x256xf32, #tpu.memory_space<vmem>>
    %dma_start3A_650 = tpu.memref_squeeze %dma_start3A_649 : memref<1x64x256xf32, #tpu.memory_space<vmem>> -> memref<64x256xf32, #tpu.memory_space<vmem>>
    %dma_start3A_651 = arith.constant 832 : i32
    %dma_start3A_652 = arith.constant 0 : i32
    %dma_start3A_653 = tpu.memref_slice %arg4[%add3A, %dma_start3A_651, %dma_start3A_652] : memref<32x1024x256xf32, #tpu.memory_space<hbm>> -> memref<1x64x256xf32, #tpu.memory_space<hbm>>
    %dma_start3A_654 = tpu.memref_squeeze %dma_start3A_653 : memref<1x64x256xf32, #tpu.memory_space<hbm>> -> memref<64x256xf32, #tpu.memory_space<hbm>>
    %dma_start3A_655 = arith.constant 832 : i32
    %dma_start3A_656 = arith.constant 0 : i32
    %dma_start3A_657 = tpu.memref_slice %arg4[%add3A, %dma_start3A_655, %dma_start3A_656] : memref<32x1024x256xf32, #tpu.memory_space<hbm>> -> memref<1x64x256xf32, #tpu.memory_space<hbm>>
    %dma_start3A_658 = tpu.memref_squeeze %dma_start3A_657 : memref<1x64x256xf32, #tpu.memory_space<hbm>> -> memref<64x256xf32, #tpu.memory_space<hbm>>
    %dma_start3A_659 = arith.constant 0 : i32
    %dma_start3A_660 = arith.constant 0 : i32
    %dma_start3A_661 = tpu.memref_slice %arg6[%dma_start3A_646, %dma_start3A_659, %dma_start3A_660] : memref<7x64x256xf32, #tpu.memory_space<vmem>> -> memref<1x64x256xf32, #tpu.memory_space<vmem>>
    %dma_start3A_662 = tpu.memref_squeeze %dma_start3A_661 : memref<1x64x256xf32, #tpu.memory_space<vmem>> -> memref<64x256xf32, #tpu.memory_space<vmem>>
    tpu.enqueue_dma source(%dma_start3A_662 : memref<64x256xf32, #tpu.memory_space<vmem>>) target(%dma_start3A_658 : memref<64x256xf32, #tpu.memory_space<hbm>>) target_semaphore(%arg8 : memref<!tpu.dma_semaphore, #tpu.memory_space<semaphore_mem>>)
    %dma_wait3A_663 = arith.constant 1 : i32
    %dma_wait3A_664 = arith.constant 0 : i32
    %dma_wait3A_665 = arith.constant 0 : i32
    %dma_wait3A_666 = tpu.memref_slice %arg6[%dma_wait3A_663, %dma_wait3A_664, %dma_wait3A_665] : memref<7x64x256xf32, #tpu.memory_space<vmem>> -> memref<1x64x256xf32, #tpu.memory_space<vmem>>
    %dma_wait3A_667 = tpu.memref_squeeze %dma_wait3A_666 : memref<1x64x256xf32, #tpu.memory_space<vmem>> -> memref<64x256xf32, #tpu.memory_space<vmem>>
    %dma_wait3A_668 = arith.constant 512 : i32
    %dma_wait3A_669 = arith.constant 0 : i32
    %dma_wait3A_670 = tpu.memref_slice %arg4[%add3A, %dma_wait3A_668, %dma_wait3A_669] : memref<32x1024x256xf32, #tpu.memory_space<hbm>> -> memref<1x64x256xf32, #tpu.memory_space<hbm>>
    %dma_wait3A_671 = tpu.memref_squeeze %dma_wait3A_670 : memref<1x64x256xf32, #tpu.memory_space<hbm>> -> memref<64x256xf32, #tpu.memory_space<hbm>>
    %dma_wait3A_672 = arith.constant 512 : i32
    %dma_wait3A_673 = arith.constant 0 : i32
    %dma_wait3A_674 = tpu.memref_slice %arg4[%add3A, %dma_wait3A_672, %dma_wait3A_673] : memref<32x1024x256xf32, #tpu.memory_space<hbm>> -> memref<1x64x256xf32, #tpu.memory_space<hbm>>
    %dma_wait3A_675 = tpu.memref_squeeze %dma_wait3A_674 : memref<1x64x256xf32, #tpu.memory_space<hbm>> -> memref<64x256xf32, #tpu.memory_space<hbm>>
    %dma_wait3A_676 = arith.constant 0 : i32
    %dma_wait3A_677 = arith.constant 0 : i32
    %dma_wait3A_678 = tpu.memref_slice %arg6[%dma_wait3A_663, %dma_wait3A_676, %dma_wait3A_677] : memref<7x64x256xf32, #tpu.memory_space<vmem>> -> memref<1x64x256xf32, #tpu.memory_space<vmem>>
    %dma_wait3A_679 = tpu.memref_squeeze %dma_wait3A_678 : memref<1x64x256xf32, #tpu.memory_space<vmem>> -> memref<64x256xf32, #tpu.memory_space<vmem>>
    tpu.wait_dma2 semaphore(%arg8 : memref<!tpu.dma_semaphore, #tpu.memory_space<semaphore_mem>>) src(%dma_wait3A_679 : memref<64x256xf32, #tpu.memory_space<vmem>>) dst(%dma_wait3A_675 : memref<64x256xf32, #tpu.memory_space<hbm>>)
    %dma_start3A_680 = arith.constant 1 : i32
    %dma_start3A_681 = arith.constant 0 : i32
    %dma_start3A_682 = arith.constant 0 : i32
    %dma_start3A_683 = tpu.memref_slice %arg6[%dma_start3A_680, %dma_start3A_681, %dma_start3A_682] : memref<7x64x256xf32, #tpu.memory_space<vmem>> -> memref<1x64x256xf32, #tpu.memory_space<vmem>>
    %dma_start3A_684 = tpu.memref_squeeze %dma_start3A_683 : memref<1x64x256xf32, #tpu.memory_space<vmem>> -> memref<64x256xf32, #tpu.memory_space<vmem>>
    %dma_start3A_685 = arith.constant 960 : i32
    %dma_start3A_686 = tpu.memref_slice %arg5[%dma_start3A_685] : memref<1024xi32, #tpu.memory_space<vmem>> -> memref<64xi32, #tpu.memory_space<vmem>>
    %dma_start3A_687 = arith.constant 0 : i32
    %dma_start3A_688 = arith.constant 0 : i32
    %dma_start3A_689 = tpu.memref_slice %arg3[%dma_start3A_687, %dma_start3A_688] : memref<8192x256xf32, #tpu.memory_space<hbm>> -> memref<8192x256xf32, #tpu.memory_space<hbm>>
    tpu.enqueue_indirect_dma source(%dma_start3A_689 : memref<8192x256xf32, #tpu.memory_space<hbm>>) target(%dma_start3A_684 : memref<64x256xf32, #tpu.memory_space<vmem>>) offsets(%dma_start3A_686 : memref<64xi32, #tpu.memory_space<vmem>>) semaphore(%arg7 : memref<!tpu.dma_semaphore, #tpu.memory_space<semaphore_mem>>)
    %dma_wait3A_690 = arith.constant 0 : i32
    %dma_wait3A_691 = arith.constant 0 : i32
    %dma_wait3A_692 = arith.constant 0 : i32
    %dma_wait3A_693 = tpu.memref_slice %arg6[%dma_wait3A_690, %dma_wait3A_691, %dma_wait3A_692] : memref<7x64x256xf32, #tpu.memory_space<vmem>> -> memref<1x64x256xf32, #tpu.memory_space<vmem>>
    %dma_wait3A_694 = tpu.memref_squeeze %dma_wait3A_693 : memref<1x64x256xf32, #tpu.memory_space<vmem>> -> memref<64x256xf32, #tpu.memory_space<vmem>>
    %dma_wait3A_695 = arith.constant 896 : i32
    %dma_wait3A_696 = tpu.memref_slice %arg5[%dma_wait3A_695] : memref<1024xi32, #tpu.memory_space<vmem>> -> memref<64xi32, #tpu.memory_space<vmem>>
    %dma_wait3A_697 = arith.constant 0 : i32
    %dma_wait3A_698 = arith.constant 0 : i32
    %dma_wait3A_699 = tpu.memref_slice %arg3[%dma_wait3A_697, %dma_wait3A_698] : memref<8192x256xf32, #tpu.memory_space<hbm>> -> memref<8192x256xf32, #tpu.memory_space<hbm>>
    tpu.wait_indirect_dma semaphore(%arg7 : memref<!tpu.dma_semaphore, #tpu.memory_space<semaphore_mem>>) src(%dma_wait3A_699 : memref<8192x256xf32, #tpu.memory_space<hbm>>) dst(%dma_wait3A_694 : memref<64x256xf32, #tpu.memory_space<vmem>>)
    %dma_start3A_700 = arith.constant 0 : i32
    %dma_start3A_701 = arith.constant 0 : i32
    %dma_start3A_702 = arith.constant 0 : i32
    %dma_start3A_703 = tpu.memref_slice %arg6[%dma_start3A_700, %dma_start3A_701, %dma_start3A_702] : memref<7x64x256xf32, #tpu.memory_space<vmem>> -> memref<1x64x256xf32, #tpu.memory_space<vmem>>
    %dma_start3A_704 = tpu.memref_squeeze %dma_start3A_703 : memref<1x64x256xf32, #tpu.memory_space<vmem>> -> memref<64x256xf32, #tpu.memory_space<vmem>>
    %dma_start3A_705 = arith.constant 896 : i32
    %dma_start3A_706 = arith.constant 0 : i32
    %dma_start3A_707 = tpu.memref_slice %arg4[%add3A, %dma_start3A_705, %dma_start3A_706] : memref<32x1024x256xf32, #tpu.memory_space<hbm>> -> memref<1x64x256xf32, #tpu.memory_space<hbm>>
    %dma_start3A_708 = tpu.memref_squeeze %dma_start3A_707 : memref<1x64x256xf32, #tpu.memory_space<hbm>> -> memref<64x256xf32, #tpu.memory_space<hbm>>
    %dma_start3A_709 = arith.constant 896 : i32
    %dma_start3A_710 = arith.constant 0 : i32
    %dma_start3A_711 = tpu.memref_slice %arg4[%add3A, %dma_start3A_709, %dma_start3A_710] : memref<32x1024x256xf32, #tpu.memory_space<hbm>> -> memref<1x64x256xf32, #tpu.memory_space<hbm>>
    %dma_start3A_712 = tpu.memref_squeeze %dma_start3A_711 : memref<1x64x256xf32, #tpu.memory_space<hbm>> -> memref<64x256xf32, #tpu.memory_space<hbm>>
    %dma_start3A_713 = arith.constant 0 : i32
    %dma_start3A_714 = arith.constant 0 : i32
    %dma_start3A_715 = tpu.memref_slice %arg6[%dma_start3A_700, %dma_start3A_713, %dma_start3A_714] : memref<7x64x256xf32, #tpu.memory_space<vmem>> -> memref<1x64x256xf32, #tpu.memory_space<vmem>>
    %dma_start3A_716 = tpu.memref_squeeze %dma_start3A_715 : memref<1x64x256xf32, #tpu.memory_space<vmem>> -> memref<64x256xf32, #tpu.memory_space<vmem>>
    tpu.enqueue_dma source(%dma_start3A_716 : memref<64x256xf32, #tpu.memory_space<vmem>>) target(%dma_start3A_712 : memref<64x256xf32, #tpu.memory_space<hbm>>) target_semaphore(%arg8 : memref<!tpu.dma_semaphore, #tpu.memory_space<semaphore_mem>>)
    %dma_wait3A_717 = arith.constant 1 : i32
    %dma_wait3A_718 = arith.constant 0 : i32
    %dma_wait3A_719 = arith.constant 0 : i32
    %dma_wait3A_720 = tpu.memref_slice %arg6[%dma_wait3A_717, %dma_wait3A_718, %dma_wait3A_719] : memref<7x64x256xf32, #tpu.memory_space<vmem>> -> memref<1x64x256xf32, #tpu.memory_space<vmem>>
    %dma_wait3A_721 = tpu.memref_squeeze %dma_wait3A_720 : memref<1x64x256xf32, #tpu.memory_space<vmem>> -> memref<64x256xf32, #tpu.memory_space<vmem>>
    %dma_wait3A_722 = arith.constant 960 : i32
    %dma_wait3A_723 = tpu.memref_slice %arg5[%dma_wait3A_722] : memref<1024xi32, #tpu.memory_space<vmem>> -> memref<64xi32, #tpu.memory_space<vmem>>
    %dma_wait3A_724 = arith.constant 0 : i32
    %dma_wait3A_725 = arith.constant 0 : i32
    %dma_wait3A_726 = tpu.memref_slice %arg3[%dma_wait3A_724, %dma_wait3A_725] : memref<8192x256xf32, #tpu.memory_space<hbm>> -> memref<8192x256xf32, #tpu.memory_space<hbm>>
    tpu.wait_indirect_dma semaphore(%arg7 : memref<!tpu.dma_semaphore, #tpu.memory_space<semaphore_mem>>) src(%dma_wait3A_726 : memref<8192x256xf32, #tpu.memory_space<hbm>>) dst(%dma_wait3A_721 : memref<64x256xf32, #tpu.memory_space<vmem>>)
    %dma_start3A_727 = arith.constant 1 : i32
    %dma_start3A_728 = arith.constant 0 : i32
    %dma_start3A_729 = arith.constant 0 : i32
    %dma_start3A_730 = tpu.memref_slice %arg6[%dma_start3A_727, %dma_start3A_728, %dma_start3A_729] : memref<7x64x256xf32, #tpu.memory_space<vmem>> -> memref<1x64x256xf32, #tpu.memory_space<vmem>>
    %dma_start3A_731 = tpu.memref_squeeze %dma_start3A_730 : memref<1x64x256xf32, #tpu.memory_space<vmem>> -> memref<64x256xf32, #tpu.memory_space<vmem>>
    %dma_start3A_732 = arith.constant 960 : i32
    %dma_start3A_733 = arith.constant 0 : i32
    %dma_start3A_734 = tpu.memref_slice %arg4[%add3A, %dma_start3A_732, %dma_start3A_733] : memref<32x1024x256xf32, #tpu.memory_space<hbm>> -> memref<1x64x256xf32, #tpu.memory_space<hbm>>
    %dma_start3A_735 = tpu.memref_squeeze %dma_start3A_734 : memref<1x64x256xf32, #tpu.memory_space<hbm>> -> memref<64x256xf32, #tpu.memory_space<hbm>>
    %dma_start3A_736 = arith.constant 960 : i32
    %dma_start3A_737 = arith.constant 0 : i32
    %dma_start3A_738 = tpu.memref_slice %arg4[%add3A, %dma_start3A_736, %dma_start3A_737] : memref<32x1024x256xf32, #tpu.memory_space<hbm>> -> memref<1x64x256xf32, #tpu.memory_space<hbm>>
    %dma_start3A_739 = tpu.memref_squeeze %dma_start3A_738 : memref<1x64x256xf32, #tpu.memory_space<hbm>> -> memref<64x256xf32, #tpu.memory_space<hbm>>
    %dma_start3A_740 = arith.constant 0 : i32
    %dma_start3A_741 = arith.constant 0 : i32
    %dma_start3A_742 = tpu.memref_slice %arg6[%dma_start3A_727, %dma_start3A_740, %dma_start3A_741] : memref<7x64x256xf32, #tpu.memory_space<vmem>> -> memref<1x64x256xf32, #tpu.memory_space<vmem>>
    %dma_start3A_743 = tpu.memref_squeeze %dma_start3A_742 : memref<1x64x256xf32, #tpu.memory_space<vmem>> -> memref<64x256xf32, #tpu.memory_space<vmem>>
    tpu.enqueue_dma source(%dma_start3A_743 : memref<64x256xf32, #tpu.memory_space<vmem>>) target(%dma_start3A_739 : memref<64x256xf32, #tpu.memory_space<hbm>>) target_semaphore(%arg8 : memref<!tpu.dma_semaphore, #tpu.memory_space<semaphore_mem>>)
    %dma_wait3A_744 = arith.constant 2 : i32
    %dma_wait3A_745 = arith.constant 0 : i32
    %dma_wait3A_746 = arith.constant 0 : i32
    %dma_wait3A_747 = tpu.memref_slice %arg6[%dma_wait3A_744, %dma_wait3A_745, %dma_wait3A_746] : memref<7x64x256xf32, #tpu.memory_space<vmem>> -> memref<1x64x256xf32, #tpu.memory_space<vmem>>
    %dma_wait3A_748 = tpu.memref_squeeze %dma_wait3A_747 : memref<1x64x256xf32, #tpu.memory_space<vmem>> -> memref<64x256xf32, #tpu.memory_space<vmem>>
    %dma_wait3A_749 = arith.constant 576 : i32
    %dma_wait3A_750 = arith.constant 0 : i32
    %dma_wait3A_751 = tpu.memref_slice %arg4[%add3A, %dma_wait3A_749, %dma_wait3A_750] : memref<32x1024x256xf32, #tpu.memory_space<hbm>> -> memref<1x64x256xf32, #tpu.memory_space<hbm>>
    %dma_wait3A_752 = tpu.memref_squeeze %dma_wait3A_751 : memref<1x64x256xf32, #tpu.memory_space<hbm>> -> memref<64x256xf32, #tpu.memory_space<hbm>>
    %dma_wait3A_753 = arith.constant 576 : i32
    %dma_wait3A_754 = arith.constant 0 : i32
    %dma_wait3A_755 = tpu.memref_slice %arg4[%add3A, %dma_wait3A_753, %dma_wait3A_754] : memref<32x1024x256xf32, #tpu.memory_space<hbm>> -> memref<1x64x256xf32, #tpu.memory_space<hbm>>
    %dma_wait3A_756 = tpu.memref_squeeze %dma_wait3A_755 : memref<1x64x256xf32, #tpu.memory_space<hbm>> -> memref<64x256xf32, #tpu.memory_space<hbm>>
    %dma_wait3A_757 = arith.constant 0 : i32
    %dma_wait3A_758 = arith.constant 0 : i32
    %dma_wait3A_759 = tpu.memref_slice %arg6[%dma_wait3A_744, %dma_wait3A_757, %dma_wait3A_758] : memref<7x64x256xf32, #tpu.memory_space<vmem>> -> memref<1x64x256xf32, #tpu.memory_space<vmem>>
    %dma_wait3A_760 = tpu.memref_squeeze %dma_wait3A_759 : memref<1x64x256xf32, #tpu.memory_space<vmem>> -> memref<64x256xf32, #tpu.memory_space<vmem>>
    tpu.wait_dma2 semaphore(%arg8 : memref<!tpu.dma_semaphore, #tpu.memory_space<semaphore_mem>>) src(%dma_wait3A_760 : memref<64x256xf32, #tpu.memory_space<vmem>>) dst(%dma_wait3A_756 : memref<64x256xf32, #tpu.memory_space<hbm>>)
    %dma_wait3A_761 = arith.constant 3 : i32
    %dma_wait3A_762 = arith.constant 0 : i32
    %dma_wait3A_763 = arith.constant 0 : i32
    %dma_wait3A_764 = tpu.memref_slice %arg6[%dma_wait3A_761, %dma_wait3A_762, %dma_wait3A_763] : memref<7x64x256xf32, #tpu.memory_space<vmem>> -> memref<1x64x256xf32, #tpu.memory_space<vmem>>
    %dma_wait3A_765 = tpu.memref_squeeze %dma_wait3A_764 : memref<1x64x256xf32, #tpu.memory_space<vmem>> -> memref<64x256xf32, #tpu.memory_space<vmem>>
    %dma_wait3A_766 = arith.constant 640 : i32
    %dma_wait3A_767 = arith.constant 0 : i32
    %dma_wait3A_768 = tpu.memref_slice %arg4[%add3A, %dma_wait3A_766, %dma_wait3A_767] : memref<32x1024x256xf32, #tpu.memory_space<hbm>> -> memref<1x64x256xf32, #tpu.memory_space<hbm>>
    %dma_wait3A_769 = tpu.memref_squeeze %dma_wait3A_768 : memref<1x64x256xf32, #tpu.memory_space<hbm>> -> memref<64x256xf32, #tpu.memory_space<hbm>>
    %dma_wait3A_770 = arith.constant 640 : i32
    %dma_wait3A_771 = arith.constant 0 : i32
    %dma_wait3A_772 = tpu.memref_slice %arg4[%add3A, %dma_wait3A_770, %dma_wait3A_771] : memref<32x1024x256xf32, #tpu.memory_space<hbm>> -> memref<1x64x256xf32, #tpu.memory_space<hbm>>
    %dma_wait3A_773 = tpu.memref_squeeze %dma_wait3A_772 : memref<1x64x256xf32, #tpu.memory_space<hbm>> -> memref<64x256xf32, #tpu.memory_space<hbm>>
    %dma_wait3A_774 = arith.constant 0 : i32
    %dma_wait3A_775 = arith.constant 0 : i32
    %dma_wait3A_776 = tpu.memref_slice %arg6[%dma_wait3A_761, %dma_wait3A_774, %dma_wait3A_775] : memref<7x64x256xf32, #tpu.memory_space<vmem>> -> memref<1x64x256xf32, #tpu.memory_space<vmem>>
    %dma_wait3A_777 = tpu.memref_squeeze %dma_wait3A_776 : memref<1x64x256xf32, #tpu.memory_space<vmem>> -> memref<64x256xf32, #tpu.memory_space<vmem>>
    tpu.wait_dma2 semaphore(%arg8 : memref<!tpu.dma_semaphore, #tpu.memory_space<semaphore_mem>>) src(%dma_wait3A_777 : memref<64x256xf32, #tpu.memory_space<vmem>>) dst(%dma_wait3A_773 : memref<64x256xf32, #tpu.memory_space<hbm>>)
    %dma_wait3A_778 = arith.constant 4 : i32
    %dma_wait3A_779 = arith.constant 0 : i32
    %dma_wait3A_780 = arith.constant 0 : i32
    %dma_wait3A_781 = tpu.memref_slice %arg6[%dma_wait3A_778, %dma_wait3A_779, %dma_wait3A_780] : memref<7x64x256xf32, #tpu.memory_space<vmem>> -> memref<1x64x256xf32, #tpu.memory_space<vmem>>
    %dma_wait3A_782 = tpu.memref_squeeze %dma_wait3A_781 : memref<1x64x256xf32, #tpu.memory_space<vmem>> -> memref<64x256xf32, #tpu.memory_space<vmem>>
    %dma_wait3A_783 = arith.constant 704 : i32
    %dma_wait3A_784 = arith.constant 0 : i32
    %dma_wait3A_785 = tpu.memref_slice %arg4[%add3A, %dma_wait3A_783, %dma_wait3A_784] : memref<32x1024x256xf32, #tpu.memory_space<hbm>> -> memref<1x64x256xf32, #tpu.memory_space<hbm>>
    %dma_wait3A_786 = tpu.memref_squeeze %dma_wait3A_785 : memref<1x64x256xf32, #tpu.memory_space<hbm>> -> memref<64x256xf32, #tpu.memory_space<hbm>>
    %dma_wait3A_787 = arith.constant 704 : i32
    %dma_wait3A_788 = arith.constant 0 : i32
    %dma_wait3A_789 = tpu.memref_slice %arg4[%add3A, %dma_wait3A_787, %dma_wait3A_788] : memref<32x1024x256xf32, #tpu.memory_space<hbm>> -> memref<1x64x256xf32, #tpu.memory_space<hbm>>
    %dma_wait3A_790 = tpu.memref_squeeze %dma_wait3A_789 : memref<1x64x256xf32, #tpu.memory_space<hbm>> -> memref<64x256xf32, #tpu.memory_space<hbm>>
    %dma_wait3A_791 = arith.constant 0 : i32
    %dma_wait3A_792 = arith.constant 0 : i32
    %dma_wait3A_793 = tpu.memref_slice %arg6[%dma_wait3A_778, %dma_wait3A_791, %dma_wait3A_792] : memref<7x64x256xf32, #tpu.memory_space<vmem>> -> memref<1x64x256xf32, #tpu.memory_space<vmem>>
    %dma_wait3A_794 = tpu.memref_squeeze %dma_wait3A_793 : memref<1x64x256xf32, #tpu.memory_space<vmem>> -> memref<64x256xf32, #tpu.memory_space<vmem>>
    tpu.wait_dma2 semaphore(%arg8 : memref<!tpu.dma_semaphore, #tpu.memory_space<semaphore_mem>>) src(%dma_wait3A_794 : memref<64x256xf32, #tpu.memory_space<vmem>>) dst(%dma_wait3A_790 : memref<64x256xf32, #tpu.memory_space<hbm>>)
    %dma_wait3A_795 = arith.constant 5 : i32
    %dma_wait3A_796 = arith.constant 0 : i32
    %dma_wait3A_797 = arith.constant 0 : i32
    %dma_wait3A_798 = tpu.memref_slice %arg6[%dma_wait3A_795, %dma_wait3A_796, %dma_wait3A_797] : memref<7x64x256xf32, #tpu.memory_space<vmem>> -> memref<1x64x256xf32, #tpu.memory_space<vmem>>
    %dma_wait3A_799 = tpu.memref_squeeze %dma_wait3A_798 : memref<1x64x256xf32, #tpu.memory_space<vmem>> -> memref<64x256xf32, #tpu.memory_space<vmem>>
    %dma_wait3A_800 = arith.constant 768 : i32
    %dma_wait3A_801 = arith.constant 0 : i32
    %dma_wait3A_802 = tpu.memref_slice %arg4[%add3A, %dma_wait3A_800, %dma_wait3A_801] : memref<32x1024x256xf32, #tpu.memory_space<hbm>> -> memref<1x64x256xf32, #tpu.memory_space<hbm>>
    %dma_wait3A_803 = tpu.memref_squeeze %dma_wait3A_802 : memref<1x64x256xf32, #tpu.memory_space<hbm>> -> memref<64x256xf32, #tpu.memory_space<hbm>>
    %dma_wait3A_804 = arith.constant 768 : i32
    %dma_wait3A_805 = arith.constant 0 : i32
    %dma_wait3A_806 = tpu.memref_slice %arg4[%add3A, %dma_wait3A_804, %dma_wait3A_805] : memref<32x1024x256xf32, #tpu.memory_space<hbm>> -> memref<1x64x256xf32, #tpu.memory_space<hbm>>
    %dma_wait3A_807 = tpu.memref_squeeze %dma_wait3A_806 : memref<1x64x256xf32, #tpu.memory_space<hbm>> -> memref<64x256xf32, #tpu.memory_space<hbm>>
    %dma_wait3A_808 = arith.constant 0 : i32
    %dma_wait3A_809 = arith.constant 0 : i32
    %dma_wait3A_810 = tpu.memref_slice %arg6[%dma_wait3A_795, %dma_wait3A_808, %dma_wait3A_809] : memref<7x64x256xf32, #tpu.memory_space<vmem>> -> memref<1x64x256xf32, #tpu.memory_space<vmem>>
    %dma_wait3A_811 = tpu.memref_squeeze %dma_wait3A_810 : memref<1x64x256xf32, #tpu.memory_space<vmem>> -> memref<64x256xf32, #tpu.memory_space<vmem>>
    tpu.wait_dma2 semaphore(%arg8 : memref<!tpu.dma_semaphore, #tpu.memory_space<semaphore_mem>>) src(%dma_wait3A_811 : memref<64x256xf32, #tpu.memory_space<vmem>>) dst(%dma_wait3A_807 : memref<64x256xf32, #tpu.memory_space<hbm>>)
    %dma_wait3A_812 = arith.constant 6 : i32
    %dma_wait3A_813 = arith.constant 0 : i32
    %dma_wait3A_814 = arith.constant 0 : i32
    %dma_wait3A_815 = tpu.memref_slice %arg6[%dma_wait3A_812, %dma_wait3A_813, %dma_wait3A_814] : memref<7x64x256xf32, #tpu.memory_space<vmem>> -> memref<1x64x256xf32, #tpu.memory_space<vmem>>
    %dma_wait3A_816 = tpu.memref_squeeze %dma_wait3A_815 : memref<1x64x256xf32, #tpu.memory_space<vmem>> -> memref<64x256xf32, #tpu.memory_space<vmem>>
    %dma_wait3A_817 = arith.constant 832 : i32
    %dma_wait3A_818 = arith.constant 0 : i32
    %dma_wait3A_819 = tpu.memref_slice %arg4[%add3A, %dma_wait3A_817, %dma_wait3A_818] : memref<32x1024x256xf32, #tpu.memory_space<hbm>> -> memref<1x64x256xf32, #tpu.memory_space<hbm>>
    %dma_wait3A_820 = tpu.memref_squeeze %dma_wait3A_819 : memref<1x64x256xf32, #tpu.memory_space<hbm>> -> memref<64x256xf32, #tpu.memory_space<hbm>>
    %dma_wait3A_821 = arith.constant 832 : i32
    %dma_wait3A_822 = arith.constant 0 : i32
    %dma_wait3A_823 = tpu.memref_slice %arg4[%add3A, %dma_wait3A_821, %dma_wait3A_822] : memref<32x1024x256xf32, #tpu.memory_space<hbm>> -> memref<1x64x256xf32, #tpu.memory_space<hbm>>
    %dma_wait3A_824 = tpu.memref_squeeze %dma_wait3A_823 : memref<1x64x256xf32, #tpu.memory_space<hbm>> -> memref<64x256xf32, #tpu.memory_space<hbm>>
    %dma_wait3A_825 = arith.constant 0 : i32
    %dma_wait3A_826 = arith.constant 0 : i32
    %dma_wait3A_827 = tpu.memref_slice %arg6[%dma_wait3A_812, %dma_wait3A_825, %dma_wait3A_826] : memref<7x64x256xf32, #tpu.memory_space<vmem>> -> memref<1x64x256xf32, #tpu.memory_space<vmem>>
    %dma_wait3A_828 = tpu.memref_squeeze %dma_wait3A_827 : memref<1x64x256xf32, #tpu.memory_space<vmem>> -> memref<64x256xf32, #tpu.memory_space<vmem>>
    tpu.wait_dma2 semaphore(%arg8 : memref<!tpu.dma_semaphore, #tpu.memory_space<semaphore_mem>>) src(%dma_wait3A_828 : memref<64x256xf32, #tpu.memory_space<vmem>>) dst(%dma_wait3A_824 : memref<64x256xf32, #tpu.memory_space<hbm>>)
    %dma_wait3A_829 = arith.constant 0 : i32
    %dma_wait3A_830 = arith.constant 0 : i32
    %dma_wait3A_831 = arith.constant 0 : i32
    %dma_wait3A_832 = tpu.memref_slice %arg6[%dma_wait3A_829, %dma_wait3A_830, %dma_wait3A_831] : memref<7x64x256xf32, #tpu.memory_space<vmem>> -> memref<1x64x256xf32, #tpu.memory_space<vmem>>
    %dma_wait3A_833 = tpu.memref_squeeze %dma_wait3A_832 : memref<1x64x256xf32, #tpu.memory_space<vmem>> -> memref<64x256xf32, #tpu.memory_space<vmem>>
    %dma_wait3A_834 = arith.constant 896 : i32
    %dma_wait3A_835 = arith.constant 0 : i32
    %dma_wait3A_836 = tpu.memref_slice %arg4[%add3A, %dma_wait3A_834, %dma_wait3A_835] : memref<32x1024x256xf32, #tpu.memory_space<hbm>> -> memref<1x64x256xf32, #tpu.memory_space<hbm>>
    %dma_wait3A_837 = tpu.memref_squeeze %dma_wait3A_836 : memref<1x64x256xf32, #tpu.memory_space<hbm>> -> memref<64x256xf32, #tpu.memory_space<hbm>>
    %dma_wait3A_838 = arith.constant 896 : i32
    %dma_wait3A_839 = arith.constant 0 : i32
    %dma_wait3A_840 = tpu.memref_slice %arg4[%add3A, %dma_wait3A_838, %dma_wait3A_839] : memref<32x1024x256xf32, #tpu.memory_space<hbm>> -> memref<1x64x256xf32, #tpu.memory_space<hbm>>
    %dma_wait3A_841 = tpu.memref_squeeze %dma_wait3A_840 : memref<1x64x256xf32, #tpu.memory_space<hbm>> -> memref<64x256xf32, #tpu.memory_space<hbm>>
    %dma_wait3A_842 = arith.constant 0 : i32
    %dma_wait3A_843 = arith.constant 0 : i32
    %dma_wait3A_844 = tpu.memref_slice %arg6[%dma_wait3A_829, %dma_wait3A_842, %dma_wait3A_843] : memref<7x64x256xf32, #tpu.memory_space<vmem>> -> memref<1x64x256xf32, #tpu.memory_space<vmem>>
    %dma_wait3A_845 = tpu.memref_squeeze %dma_wait3A_844 : memref<1x64x256xf32, #tpu.memory_space<vmem>> -> memref<64x256xf32, #tpu.memory_space<vmem>>
    tpu.wait_dma2 semaphore(%arg8 : memref<!tpu.dma_semaphore, #tpu.memory_space<semaphore_mem>>) src(%dma_wait3A_845 : memref<64x256xf32, #tpu.memory_space<vmem>>) dst(%dma_wait3A_841 : memref<64x256xf32, #tpu.memory_space<hbm>>)
    %dma_wait3A_846 = arith.constant 1 : i32
    %dma_wait3A_847 = arith.constant 0 : i32
    %dma_wait3A_848 = arith.constant 0 : i32
    %dma_wait3A_849 = tpu.memref_slice %arg6[%dma_wait3A_846, %dma_wait3A_847, %dma_wait3A_848] : memref<7x64x256xf32, #tpu.memory_space<vmem>> -> memref<1x64x256xf32, #tpu.memory_space<vmem>>
    %dma_wait3A_850 = tpu.memref_squeeze %dma_wait3A_849 : memref<1x64x256xf32, #tpu.memory_space<vmem>> -> memref<64x256xf32, #tpu.memory_space<vmem>>
    %dma_wait3A_851 = arith.constant 960 : i32
    %dma_wait3A_852 = arith.constant 0 : i32
    %dma_wait3A_853 = tpu.memref_slice %arg4[%add3A, %dma_wait3A_851, %dma_wait3A_852] : memref<32x1024x256xf32, #tpu.memory_space<hbm>> -> memref<1x64x256xf32, #tpu.memory_space<hbm>>
    %dma_wait3A_854 = tpu.memref_squeeze %dma_wait3A_853 : memref<1x64x256xf32, #tpu.memory_space<hbm>> -> memref<64x256xf32, #tpu.memory_space<hbm>>
    %dma_wait3A_855 = arith.constant 960 : i32
    %dma_wait3A_856 = arith.constant 0 : i32
    %dma_wait3A_857 = tpu.memref_slice %arg4[%add3A, %dma_wait3A_855, %dma_wait3A_856] : memref<32x1024x256xf32, #tpu.memory_space<hbm>> -> memref<1x64x256xf32, #tpu.memory_space<hbm>>
    %dma_wait3A_858 = tpu.memref_squeeze %dma_wait3A_857 : memref<1x64x256xf32, #tpu.memory_space<hbm>> -> memref<64x256xf32, #tpu.memory_space<hbm>>
    %dma_wait3A_859 = arith.constant 0 : i32
    %dma_wait3A_860 = arith.constant 0 : i32
    %dma_wait3A_861 = tpu.memref_slice %arg6[%dma_wait3A_846, %dma_wait3A_859, %dma_wait3A_860] : memref<7x64x256xf32, #tpu.memory_space<vmem>> -> memref<1x64x256xf32, #tpu.memory_space<vmem>>
    %dma_wait3A_862 = tpu.memref_squeeze %dma_wait3A_861 : memref<1x64x256xf32, #tpu.memory_space<vmem>> -> memref<64x256xf32, #tpu.memory_space<vmem>>
    tpu.wait_dma2 semaphore(%arg8 : memref<!tpu.dma_semaphore, #tpu.memory_space<semaphore_mem>>) src(%dma_wait3A_862 : memref<64x256xf32, #tpu.memory_space<vmem>>) dst(%dma_wait3A_858 : memref<64x256xf32, #tpu.memory_space<hbm>>)
    return
  }
}

</mosaic_0001>

<sc_bundles>
// kernel: kernel.3.cloned.1.call-start
scs
__scs_entry_jumppad:
0x0: {  	(pc) =	sbr.rel $0x88, $3  }
0x1: {  	(tag) =	ssettag $0x0;
	lr =	simm.s32 $0x1  }
0x2: {  	[smem:$0x3F9F] =	sst lr;
	_ =	strace $0xD0000000  }
0x3: {  	_ = 	snop  }
0x4: {  	_ = 	snop  }
0x5: {  	_ = 	snop  }
0x6: {  	_ = 	snop  }
0x7: {  	_ = 	snop  }
__scs_overlays_trampoline_lowered:
0x8: {  	[smem:$0x3FAE] =	sst s0  }
0x9: {  	[smem:$0x3FAF] =	sst s1  }
0xa: {  	[smem:$0x3FB0] =	sst s2  }
0xb: {  	[smem:$0x3FB1] =	sst s3  }
0xc: {  	[smem:$0x3FB2] =	sst s4  }
0xd: {  	[smem:$0x3FB3] =	sst s5  }
0xe: {  	[smem:$0x3FB4] =	sst s6  }
0xf: {  	[smem:$0x3FB5] =	sst s7  }
0x10: {  	[smem:$0x3FB6] =	sst s8  }
0x11: {  	[smem:$0x3FB7] =	sst s9;
	s0 =	simm.s32 @!p0 $0x0  }
0x12: {  	s1 =	sld [smem:$0x3F9D];
	s0 =	simm.s32 @p0 $0x1  }
0x13: {  	[smem:$0x3FB8] =	sst s0;
	s0 =	simm.s32 @!p1 $0x0  }
0x14: {  	s2 =	sld [smem:$0x3F9C];
	s0 =	simm.s32 @p1 $0x1  }
0x15: {  	[smem:$0x3FB9] =	sst s0;
	s0 =	simm.s32 @!p2 $0x0  }
0x16: {  	s3 =	sld [smem:$0x3FDB];
	s0 =	simm.s32 @p2 $0x1  }
0x17: {  	s4 =	simm.s32 $0x1BF5;
	[smem:$0x3FBB] =	sst s0  }
0x18: {  	s0 =	sld [smem:$0x3F9E];
	_ =	swait.ge [sflag:s4], $0x0  }
0x19: {  	s7 =	sld [smem:$0x3F9F]  }
0x1a: {  	s8 =	sadd.s32 $0xFFFFE003, lr  }
0x1b: {  	s9 =	sadd.s32 $0xFFFFFEF7, lr;
	s5 =	simm.s32 $0xFFFFFFFF;
	p2 =	slt.u32 s8, $0xFFFFF086  }
0x1c: {  	p1 =	slt.u32 s9, $0xF7A;
	s5 =	simm.s32 @!p2 $0x0  }
0x1d: {  	s5 =	simm.s32 @p1 $0x1;
	p0 =	seq.s32 s7, s2  }
0x1e: {  	s7 =	smul.u32 @!p0 $0xF7A, s2;
	p2 =	seq.s32 @!p0 s5, $0x0  }
0x1f: {  	s9 =	smul.u32 $0xF7A, s1;
	s8 =	simm.s32 @!p0 $0x1BF5;
	p2 =	por !p2, p0  }
0x20: {  	[sflag:s8] =	ssyncset.s32 @!p0 $0xFFFFF086;
	s6 =	sadd.s32 @!p0 s3, s7;
	s7 =	simm.s32 @!p0 $0x108  }
0x21: {  	s3 =	sadd.s32 s3, s9;
	s6 =	sadd.s32 @!p0 $0x88, s6;
	s7 =	simm.s32 @p2 $0x1082  }
0x22: {  	[simem:s7], [sflag:s8] =	dma.local @!p0 [hbm:s6], $0xF7A  }
0x23: {  	s9 =	sor.u32 $0xD0000000, s2;
	s6 =	simm.s32 $0x108;
	_ =	swait.ge @!p0 [sflag:s8], $0x0  }
0x24: {  	s3 =	sadd.s32 $0x88, s3;
	s6 =	simm.s32 @!p1 $0x1082;
	[sflag:s4] =	ssyncset.s32 $0xFFFFF086  }
0x25: {  	[simem:s6], [sflag:s4] =	dma.local [hbm:s3], $0xF7A  }
0x26: {  	[smem:$0x3F9F] =	sst s1;
	(tag) =	ssettag s2;
	_ =	strace s9  }
0x27: {  	s1 =	sld [smem:$0x3FAF]  }
0x28: {  	s2 =	sld [smem:$0x3FB0]  }
0x29: {  	s4 =	sld [smem:$0x3FB2]  }
0x2a: {  	p0 =	seq.s32 s5, $0x0;
	s5 =	sld [smem:$0x3FB3]  }
0x2b: {  	s6 =	sld [smem:$0x3FB4]  }
0x2c: {  	s7 =	sld [smem:$0x3FB5]  }
0x2d: {  	s3 =	simm.s32 $0x108;
	s8 =	sld [smem:$0x3FB6]  }
0x2e: {  	s3 =	simm.s32 @!p0 $0x1082;
	s9 =	sld [smem:$0x3FB7]  }
0x2f: {  	lr =	sadd.s32 s0, s3;
	s0 =	sld [smem:$0x3FAE]  }
0x30: {  	s3 =	sld [smem:$0x3FB1]  }
0x31: {  	[smem:$0x3FBA] =	sst s10  }
0x32: {  	s10 =	sld [smem:$0x3FB8];
	_ =	sdelay $0x3  }
0x33: {  	p0 =	seq.s32 s10, $0x1;
	s10 =	sld [smem:$0x3FBA];
	_ =	sdelay $0x3  }
0x34: {  	[smem:$0x3FBA] =	sst s10  }
0x35: {  	s10 =	sld [smem:$0x3FB9];
	_ =	sdelay $0x3  }
0x36: {  	p1 =	seq.s32 s10, $0x1;
	s10 =	sld [smem:$0x3FBA];
	_ =	sdelay $0x3  }
0x37: {  	[smem:$0x3FBA] =	sst s10  }
0x38: {  	s10 =	sld [smem:$0x3FBB]  }
0x39: {  	_ = 	snop;
	(pc) =	sbr.ind lr, $3  }
0x3a: {  	_ = 	snop  }
0x3b: {  	_ = 	snop  }
0x3c: {  	p2 =	seq.s32 s10, $0x1;
	s10 =	sld [smem:$0x3FBA]  }
0x3d: {  	_ =	shalt  }
0x3e: {  	_ =	shalt  }
0x3f: {  	_ =	shalt  }
0x40: {  	_ =	shalt  }
0x41: {  	_ =	shalt  }
0x42: {  	_ =	shalt  }
0x43: {  	_ =	shalt  }
0x44: {  	_ =	shalt  }
0x45: {  	_ =	shalt  }
0x46: {  	_ =	shalt  }
0x47: {  	_ =	shalt  }
0x48: {  	_ =	shalt  }
0x49: {  	_ =	shalt  }
0x4a: {  	_ =	shalt  }
0x4b: {  	_ =	shalt  }
0x4c: {  	_ =	shalt  }
0x4d: {  	_ =	shalt  }
0x4e: {  	_ =	shalt  }
0x4f: {  	_ =	shalt  }
0x50: {  	_ =	shalt  }
0x51: {  	_ =	shalt  }
0x52: {  	_ =	shalt  }
0x53: {  	_ =	shalt  }
0x54: {  	_ =	shalt  }
0x55: {  	_ =	shalt  }
0x56: {  	_ =	shalt  }
0x57: {  	_ =	shalt  }
0x58: {  	_ =	shalt  }
0x59: {  	_ =	shalt  }
0x5a: {  	_ =	shalt  }
0x5b: {  	_ =	shalt  }
0x5c: {  	_ =	shalt  }
0x5d: {  	_ =	shalt  }
0x5e: {  	_ =	shalt  }
0x5f: {  	_ =	shalt  }
0x60: {  	_ =	shalt  }
0x61: {  	_ =	shalt  }
0x62: {  	_ =	shalt  }
0x63: {  	_ =	shalt  }
0x64: {  	_ =	shalt  }
0x65: {  	_ =	shalt  }
0x66: {  	_ =	shalt  }
0x67: {  	_ =	shalt  }
0x68: {  	_ =	shalt  }
0x69: {  	_ =	shalt  }
0x6a: {  	_ =	shalt  }
0x6b: {  	_ =	shalt  }
0x6c: {  	_ =	shalt  }
0x6d: {  	_ =	shalt  }
0x6e: {  	_ =	shalt  }
0x6f: {  	_ =	shalt  }
0x70: {  	_ =	shalt  }
0x71: {  	_ =	shalt  }
0x72: {  	_ =	shalt  }
0x73: {  	_ =	shalt  }
0x74: {  	_ =	shalt  }
0x75: {  	_ =	shalt  }
0x76: {  	_ =	shalt  }
0x77: {  	_ =	shalt  }
0x78: {  	_ =	shalt  }
0x79: {  	_ =	shalt  }
0x7a: {  	_ =	shalt  }
0x7b: {  	_ =	shalt  }
0x7c: {  	_ =	shalt  }
0x7d: {  	_ =	shalt  }
0x7e: {  	_ =	shalt  }
0x7f: {  	_ =	shalt  }
0x80: {  	_ =	shalt  }
0x81: {  	_ =	shalt  }
0x82: {  	_ =	shalt  }
0x83: {  	_ =	shalt  }
0x84: {  	_ =	shalt  }
0x85: {  	_ =	shalt  }
0x86: {  	_ =	shalt  }
0x87: {  	_ =	shalt  }
.Lfunc_end0:
.L_simem_size_0:
called_computation_lowered:
.L_overlay_start_0:
0x88: {  	s2 =	sld [smem:$0x3FD9]  }
0x89: {  	s3 =	sld [smem:$0x3FFE];
	_ =	sdelay $0x1  }
0x8a: {  	s1 =	srdreg.scid  }
0x8b: {  	s0 =	sand.u32 $0x1, s1  }
0x8c: {  	s18 =	sshll.u32 s0, $0xA;
	s2 =	sadd.s32 s3, s2  }
0x8d: {  	s2 =	sadd.s32 s2, s18  }
0x8e: {  	[smem:$0x3FC6] =	sst s2  }
0x8f: {  	_ = 	snop  }
0x90: {  	s2 =	sld [smem:$0x3FC9]  }
0x91: {  	s19 =	sld [smem:$0x3FC8]  }
0x92: {  	s4 =	sld [smem:$0x3FD0];
	(tm) =	ssettm $0x1  }
0x93: {  	s5 =	sld [smem:$0x3FFB];
	_ =	sdelay $0x3  }
0x94: {  	_ =	strace s5  }
0x95: {  	s5 =	sld [smem:$0x3FFC];
	_ =	sdelay $0x3  }
0x96: {  	_ =	strace s5  }
0x97: {  	s5 =	sld [smem:$0x3FFD];
	_ =	sdelay $0x3  }
0x98: {  	_ =	strace s5  }
0x99: {  	_ =	strace $0x8FFFFFFF  }
0x9a: {  	s20 =	sld [smem:$0x3FDB];
	_ =	sdelay $0x1  }
0x9b: {  	s6 =	simm.s32 $_scs_section_size  }
0x9c: {  	s7 =	simm.s32 $_size__tile_overlayer_lowered;
	s8 =	simm.s32 $_tile_overlayer_lowered  }
0x9d: {  	s23 =	simm.s32 $0x1BFF;
	s22 =	sshll.u32 s8, $0x1;
	s5 =	sadd.s32 s6, s20  }
0x9e: {  	s9 =	simm.s32 $0x0;
	s21 =	sshll.u32 s7, $0x1;
	s7 =	sadd.s32 s22, s5  }
0x9f: {  	[timem:s9], [sflag:s23] =	dma.local [hbm:s7], s21  }
0xa0: {  	_ =	swait.ge [sflag:s23], s21  }
0xa1: {  	s6 =	ssub.s32 $0x0, s21;
	[sflag:s23] =	ssyncset.done $0x0  }
0xa2: {  	[sflag:s23] =	ssyncadd.s32 s6;
	_ =	sdelay $0x1  }
0xa3: {  	s24 =	simm.s32 $0x1B8B  }
0xa4: {  	_ =	swait.ge [sflag:s24], $0x1  }
0xa5: {  	[sflag:s24] =	ssyncset.done $0x0  }
0xa6: {  	s25 =	simm.s32 $0x1B8E;
	[sflag:s24] =	ssyncadd.s32 $0xFFFFFFFF  }
0xa7: {  	s26 =	simm.s32 $execute0_lowered;
	[smem:$0x3FD2] =	sst s25  }
0xa8: {  	s6 =	sshll.u32 s26, $0x1;
	_ =	strace $0x80000046;
	[dreg:$0x1] =	wrdreg $0xFFFFFFFF  }
0xa9: {  	s28 =	simm.s32 $_size_execute0_lowered;
	s5 =	sadd.s32 s5, s6;
	[dreg:$0x0] =	wrdreg $0x0  }
0xaa: {  	s6 =	sshll.u32 s28, $0x1;
	[dreg:$0x2] =	wrdreg s5  }
0xab: {  	[dreg:$0x3] =	wrdreg s6  }
0xac: {  	[dreg:$0x4] =	wrdreg $0xC0  }
0xad: {  	_ =	task [dreg:s9], $0x5FFFF  }
0xae: {  	[dreg:$0x1] =	wrdreg $0xFFFFFFFF  }
0xaf: {  	[dreg:$0x0] =	wrdreg $0x60  }
0xb0: {  	[dreg:$0x2] =	wrdreg s2  }
0xb1: {  	[dreg:$0x3] =	wrdreg s19  }
0xb2: {  	[dreg:$0x4] =	wrdreg s4  }
0xb3: {  	[dreg:$0x5] =	wrdreg $0x9  }
0xb4: {  	_ =	task.clear_ibuf [dreg:s9], $0x6FFFF;
	_ =	strace $0x90000046  }
0xb5: {  	s29 =	simm.s32 $0x9;
	_ =	strace $0x80000048  }
0xb6: {  	_ =	swait.ge [sflag:s29], $0x1  }
0xb7: {  	[sflag:s29] =	ssyncadd.s32 $0xFFFFFFFF  }
0xb8: {  	_ =	strace $0x90000048  }
0xb9: {  	_ =	sfence  }
0xba: {  	s30 =	sld [smem:$0x0];
	_ =	sdelay $0x2  }
0xbb: {  	s31 =	sshll.u32 s1, $0xD;
	s1 =	sshrl.u32 s1, $0x2  }
0xbc: {  	s3 =	sand.u32 $0x4000, s31;
	s1 =	sadd.s32 s1, s30  }
0xbd: {  	s0 =	sor.u32 s3, s0;
	s1 =	sshll.u32 s1, $0x11  }
0xbe: {  	s0 =	sor.u32 s1, s0  }
0xbf: {  	s0 =	sadd.s32 $0x8F2B, s0  }
0xc0: {  	[sflag:s0] =	ssyncadd.remote.s32 $0x1  }
0xc1: {  	_ =	sfence.sel $0xFFFF  }
0xc2: {  	[dreg:$0x0] =	wrdreg $0xFFFFFFFF;
	(pc) =	sbr.abs _section_cstart, $3  }
0xc3: {  	[dreg:$0x1] =	wrdreg $0xFFFFFFFF  }
0xc4: {  	_ =	task.clear_ibuf [dreg:s9], $0x2FFFF;
	_ =	strace $0x9FFFFFFF  }
0xc5: {  	(tm) =	ssettm $0x7FFFFFFF  }
tec
execute0_lowered:
.L_overlay_start_1:
0x0: {  	(tag) =	ssettag $0x1  }
0x1: {  	s0 =	rddreg [dreg:$0x0]  }
0x2: {  	s2 =	rddreg [dreg:$0x1]  }
0x3: {  	s1 =	rddreg [dreg:$0x2]  }
0x4: {  	s3 =	srdreg.scid;
	s6 =	stileid.u32  }
0x5: {  	s26 =	simm.s32 $0x80;
	s5 =	sand.u32 $0x1, s3;
	s4 =	sshll.u32 s6, $0x1  }
0x6: {  	s3 =	simm.s32 $0x0;
	s6 =	sshll.u32 s6, $0x8;
	s4 =	sor.u32 s5, s4  }
0x7: {  	[smem:$0x7FF] =	sst s3;
	s6 =	sand.u32 $0xC00, s6;
	s7 =	sshll.u32 s4, $0x4  }
0x8: {  	s0 =	sadd.s32 s0, s6;
	s4 =	sshll.u32 s4, $0xF;
	_ =	strace $0x80000047  }
0x9: {  	[dreg:$0x14] =	wrdreg s26;
	s7 =	sand.u32 $0x70, s7;
	s4 =	sadd.s32 s1, s4  }
0xa: {  	s0 =	sadd.s32 s7, s0;
	[dreg:$0x15] =	wrdreg s4  }
0xb: {  	s10 =	sadd.s32 $0x800, s4;
	[dreg:$0x4] =	wrdreg s0  }
0xc: {  	s11 =	sadd.s32 $0x1000, s4;
	[dreg:$0x5] =	wrdreg s10  }
0xd: {  	s29 =	simm.s32 $0x1;
	s12 =	sadd.s32 $0x1800, s4;
	[dreg:$0x6] =	wrdreg s11  }
0xe: {  	s30 =	simm.s32 $0x2;
	s13 =	sadd.s32 $0x2000, s4;
	[dreg:$0x7] =	wrdreg s12  }
0xf: {  	s28 =	simm.s32 $0x9400;
	s14 =	sadd.s32 $0x2800, s4;
	[dreg:$0x8] =	wrdreg s13  }
0x10: {  	s8 =	simm.s32 $0xAC00;
	s15 =	sadd.s32 $0x3000, s4;
	[dreg:$0x9] =	wrdreg s14  }
0x11: {  	s31 =	simm.s32 $0xB400;
	s16 =	sadd.s32 $0x3800, s4;
	[dreg:$0xa] =	wrdreg s15  }
0x12: {  	s9 =	simm.s32 $0xBC00;
	s17 =	sadd.s32 $0x4000, s4;
	[dreg:$0xb] =	wrdreg s16  }
0x13: {  	s22 =	ssub.s32 $0x2, s5;
	s18 =	sadd.s32 $0x4800, s4;
	[dreg:$0xc] =	wrdreg s17  }
0x14: {  	s5 =	sshrl.u32 s22, $0x1;
	s19 =	sadd.s32 $0x5000, s4;
	[dreg:$0xd] =	wrdreg s18  }
0x15: {  	s6 =	simm.s32 $0x400;
	s20 =	sadd.s32 $0x5800, s4;
	[dreg:$0xe] =	wrdreg s19  }
0x16: {  	s1 =	ssub.s32 s22, s5;
	s21 =	sadd.s32 $0x6000, s4;
	[dreg:$0xf] =	wrdreg s20  }
0x17: {  	s22 =	simm.s32 $0xFC00;
	s23 =	sadd.s32 $0x6800, s4;
	[dreg:$0x10] =	wrdreg s21  }
0x18: {  	s24 =	sadd.s32 $0x7000, s4;
	s25 =	sadd.s32 $0x7800, s4;
	[dreg:$0x11] =	wrdreg s23  }
0x19: {  	s5 =	smax.u32 s1, $0x1;
	s7 =	simm.s32 $0x4400;
	[dreg:$0x12] =	wrdreg s24  }
0x1a: {  	[dreg:$0x13] =	wrdreg s25;
	s10 =	simm.s32 $0x9C00;
	s11 =	simm.s32 $0xA400  }
0x1b: {  	s25 =	simm.s32 $0xC400;
	s15 =	simm.s32 $0xCC00;
	s17 =	simm.s32 $0xD400  }
0x1c: {  	v2 =	vlaneseq.u32;
	s18 =	simm.s32 $0xDC00;
	s19 =	simm.s32 $0xE400;
	s20 =	simm.s32 $0xEC00  }
0x1d: {  	vm0 =	vmmov $0xffff;
	v1 =	vshrl.u32 v2, $0x3;
	s21 =	simm.s32 $0xF400;
	s23 =	simm.s32 $0x10400;
	s12 =	simm.s32 $0x12400  }
0x1e: {  	v0 =	vand.u32 $0x7, v2;
	v2 =	vor.u32 $0x8, v2;
	v1 =	vmul.u32 $0x8, v1;
	s13 =	simm.s32 $0x12C00;
	s14 =	simm.s32 $0x13400;
	s16 =	simm.s32 $0x13C00  }
.LBB2_1:
0x1f: {  	s24 =	rddreg [dreg:$0x4]  }
0x20: {  	s26 =	rddreg [dreg:$0x14];
	s4 =	simm.s32 $0x3  }
0x21: {  	[tilespmem:s3], [sflag:$0x3] =	stream.strided.gather [hbm4b:s24+s26], $0x400, s6, s26, $0x38;
	[tilespmem:$0x1C400] =	vst v63  }
0x22: {  	_ =	swait.ge [sflag:s4], $0x400  }
0x23: {  	[sflag:s4] =	ssyncset.done $0x0  }
0x24: {  	[sflag:s4] =	ssyncadd.s32 $0xFFFFFC00  }
0x25: {  	v3 =	vld [tilespmem:$0x0];
	_ =	sdelay $0x4  }
0x26: {  	v4 =	vshll.u32 v3, $0x1  }
0x27: {  	v3 =	vand.u32 $0x7, v3;
	v4 =	vand.u32 $0xFFFFFFF0, v4  }
0x28: {  	v3 =	vor.u32 v3, v4  }
0x29: {  	v4 =	vperm.xlane v3, v0;
	_ =	sdelay $0x1  }
0x2a: {  	v3 =	vperm.xlane v3, v2;
	v4 =	vadd.s32 v1, v4;
	_ =	sdelay $0x1  }
0x2b: {  	v3 =	vadd.s32 v1, v3;
	_ =	sdelay $0x2  }
0x2c: {  	[tilespmem:s6], [sflag:$0x1] =	stream.indirect_vreg.gather [hbm4b:s2+s3], $0x80, v4, vm0, $0xb8;
	[tilespmem:$0x1C400] =	vst v63  }
0x2d: {  	s0 =	simm.s32 $0xC00  }
0x2e: {  	[tilespmem:s0], [sflag:$0x1] =	stream.indirect_vreg.gather [hbm4b:s2+s3], $0x80, v3, vm0, $0xb8;
	[tilespmem:$0x1C400] =	vst v63  }
0x2f: {  	v3 =	vld [tilespmem:$0x10];
	_ =	sdelay $0x4  }
0x30: {  	v57 =	vshll.u32 v3, $0x1  }
0x31: {  	v3 =	vand.u32 $0x7, v3;
	v4 =	vand.u32 $0xFFFFFFF0, v57  }
0x32: {  	v3 =	vor.u32 v3, v4  }
0x33: {  	v4 =	vperm.xlane v3, v0;
	_ =	sdelay $0x1  }
0x34: {  	v3 =	vperm.xlane v3, v2;
	v4 =	vadd.s32 v1, v4;
	_ =	sdelay $0x1  }
0x35: {  	v3 =	vadd.s32 v1, v3;
	_ =	sdelay $0x1  }
0x36: {  	s4 =	simm.s32 $0x1400  }
0x37: {  	[tilespmem:s4], [sflag:$0x1] =	stream.indirect_vreg.gather [hbm4b:s2+s3], $0x80, v4, vm0, $0xb8;
	[tilespmem:$0x1C400] =	vst v63  }
0x38: {  	s24 =	simm.s32 $0x1C00  }
0x39: {  	[tilespmem:s24], [sflag:$0x1] =	stream.indirect_vreg.gather [hbm4b:s2+s3], $0x80, v3, vm0, $0xb8;
	[tilespmem:$0x1C400] =	vst v63  }
0x3a: {  	v3 =	vld [tilespmem:$0x20];
	_ =	sdelay $0x4  }
0x3b: {  	v58 =	vshll.u32 v3, $0x1  }
0x3c: {  	v3 =	vand.u32 $0x7, v3;
	v4 =	vand.u32 $0xFFFFFFF0, v58  }
0x3d: {  	v3 =	vor.u32 v3, v4  }
0x3e: {  	v4 =	vperm.xlane v3, v0;
	_ =	sdelay $0x1  }
0x3f: {  	v3 =	vperm.xlane v3, v2;
	v4 =	vadd.s32 v1, v4;
	_ =	sdelay $0x1  }
0x40: {  	v3 =	vadd.s32 v1, v3;
	_ =	sdelay $0x1  }
0x41: {  	s26 =	simm.s32 $0x2400  }
0x42: {  	[tilespmem:s26], [sflag:$0x1] =	stream.indirect_vreg.gather [hbm4b:s2+s3], $0x80, v4, vm0, $0xb8;
	[tilespmem:$0x1C400] =	vst v63  }
0x43: {  	s1 =	simm.s32 $0x2C00  }
0x44: {  	[tilespmem:s1], [sflag:$0x1] =	stream.indirect_vreg.gather [hbm4b:s2+s3], $0x80, v3, vm0, $0xb8;
	[tilespmem:$0x1C400] =	vst v63  }
0x45: {  	v3 =	vld [tilespmem:$0x30];
	_ =	sdelay $0x4  }
0x46: {  	v59 =	vshll.u32 v3, $0x1  }
0x47: {  	v3 =	vand.u32 $0x7, v3;
	v4 =	vand.u32 $0xFFFFFFF0, v59  }
0x48: {  	v3 =	vor.u32 v3, v4  }
0x49: {  	v4 =	vperm.xlane v3, v0;
	_ =	sdelay $0x1  }
0x4a: {  	v3 =	vperm.xlane v3, v2;
	v4 =	vadd.s32 v1, v4;
	_ =	sdelay $0x1  }
0x4b: {  	v3 =	vadd.s32 v1, v3;
	_ =	sdelay $0x1  }
0x4c: {  	s4 =	simm.s32 $0x3400  }
0x4d: {  	[tilespmem:s4], [sflag:$0x1] =	stream.indirect_vreg.gather [hbm4b:s2+s3], $0x80, v4, vm0, $0xb8;
	[tilespmem:$0x1C400] =	vst v63  }
0x4e: {  	s24 =	simm.s32 $0x3C00  }
0x4f: {  	[tilespmem:s24], [sflag:$0x1] =	stream.indirect_vreg.gather [hbm4b:s2+s3], $0x80, v3, vm0, $0xb8;
	[tilespmem:$0x1C400] =	vst v63  }
0x50: {  	v3 =	vld [tilespmem:$0x40];
	_ =	sdelay $0x4  }
0x51: {  	v60 =	vshll.u32 v3, $0x1  }
0x52: {  	v3 =	vand.u32 $0x7, v3;
	v4 =	vand.u32 $0xFFFFFFF0, v60  }
0x53: {  	v3 =	vor.u32 v3, v4  }
0x54: {  	v4 =	vperm.xlane v3, v0;
	_ =	sdelay $0x1  }
0x55: {  	v3 =	vperm.xlane v3, v2;
	v4 =	vadd.s32 v1, v4;
	_ =	sdelay $0x1  }
0x56: {  	v3 =	vadd.s32 v1, v3;
	_ =	sdelay $0x2  }
0x57: {  	[tilespmem:s7], [sflag:$0x1] =	stream.indirect_vreg.gather [hbm4b:s2+s3], $0x80, v4, vm0, $0xb8;
	[tilespmem:$0x1C400] =	vst v63  }
0x58: {  	s26 =	simm.s32 $0x4C00  }
0x59: {  	[tilespmem:s26], [sflag:$0x1] =	stream.indirect_vreg.gather [hbm4b:s2+s3], $0x80, v3, vm0, $0xb8;
	[tilespmem:$0x1C400] =	vst v63  }
0x5a: {  	v3 =	vld [tilespmem:$0x50];
	_ =	sdelay $0x4  }
0x5b: {  	v61 =	vshll.u32 v3, $0x1  }
0x5c: {  	v3 =	vand.u32 $0x7, v3;
	v4 =	vand.u32 $0xFFFFFFF0, v61  }
0x5d: {  	v3 =	vor.u32 v3, v4  }
0x5e: {  	v4 =	vperm.xlane v3, v0;
	_ =	sdelay $0x1  }
0x5f: {  	v3 =	vperm.xlane v3, v2;
	v4 =	vadd.s32 v1, v4;
	_ =	sdelay $0x1  }
0x60: {  	v3 =	vadd.s32 v1, v3;
	_ =	sdelay $0x1  }
0x61: {  	s1 =	simm.s32 $0x5400  }
0x62: {  	[tilespmem:s1], [sflag:$0x1] =	stream.indirect_vreg.gather [hbm4b:s2+s3], $0x80, v4, vm0, $0xb8;
	[tilespmem:$0x1C400] =	vst v63  }
0x63: {  	s4 =	simm.s32 $0x5C00  }
0x64: {  	[tilespmem:s4], [sflag:$0x1] =	stream.indirect_vreg.gather [hbm4b:s2+s3], $0x80, v3, vm0, $0xb8;
	[tilespmem:$0x1C400] =	vst v63  }
0x65: {  	v3 =	vld [tilespmem:$0x60];
	_ =	sdelay $0x4  }
0x66: {  	v62 =	vshll.u32 v3, $0x1  }
0x67: {  	v3 =	vand.u32 $0x7, v3;
	v4 =	vand.u32 $0xFFFFFFF0, v62  }
0x68: {  	v3 =	vor.u32 v3, v4  }
0x69: {  	v4 =	vperm.xlane v3, v0;
	_ =	sdelay $0x1  }
0x6a: {  	v3 =	vperm.xlane v3, v2;
	v4 =	vadd.s32 v1, v4;
	_ =	sdelay $0x1  }
0x6b: {  	v3 =	vadd.s32 v1, v3;
	_ =	sdelay $0x1  }
0x6c: {  	s24 =	simm.s32 $0x6400  }
0x6d: {  	[tilespmem:s24], [sflag:$0x1] =	stream.indirect_vreg.gather [hbm4b:s2+s3], $0x80, v4, vm0, $0xb8;
	[tilespmem:$0x1C400] =	vst v63  }
0x6e: {  	s26 =	simm.s32 $0x6C00  }
0x6f: {  	[tilespmem:s26], [sflag:$0x1] =	stream.indirect_vreg.gather [hbm4b:s2+s3], $0x80, v3, vm0, $0xb8;
	[tilespmem:$0x1C400] =	vst v63  }
0x70: {  	v3 =	vld [tilespmem:$0x70];
	_ =	sdelay $0x4  }
0x71: {  	v63 =	vshll.u32 v3, $0x1  }
0x72: {  	v3 =	vand.u32 $0x7, v3;
	v4 =	vand.u32 $0xFFFFFFF0, v63  }
0x73: {  	v3 =	vor.u32 v3, v4  }
0x74: {  	v4 =	vperm.xlane v3, v0;
	_ =	sdelay $0x1  }
0x75: {  	v3 =	vperm.xlane v3, v2;
	v4 =	vadd.s32 v1, v4;
	_ =	sdelay $0x1  }
0x76: {  	v3 =	vadd.s32 v1, v3;
	_ =	sdelay $0x1  }
0x77: {  	s1 =	simm.s32 $0x7400  }
0x78: {  	[tilespmem:s1], [sflag:$0x1] =	stream.indirect_vreg.gather [hbm4b:s2+s3], $0x80, v4, vm0, $0xb8;
	[tilespmem:$0x1C400] =	vst v63  }
0x79: {  	s4 =	simm.s32 $0x7C00  }
0x7a: {  	[tilespmem:s4], [sflag:$0x1] =	stream.indirect_vreg.gather [hbm4b:s2+s3], $0x80, v3, vm0, $0xb8;
	[tilespmem:$0x1C400] =	vst v63  }
0x7b: {  	v3 =	vld [tilespmem:$0x80];
	_ =	sdelay $0x4  }
0x7c: {  	v8 =	vshll.u32 v3, $0x1  }
0x7d: {  	v3 =	vand.u32 $0x7, v3;
	v4 =	vand.u32 $0xFFFFFFF0, v8  }
0x7e: {  	v3 =	vor.u32 v3, v4  }
0x7f: {  	v4 =	vperm.xlane v3, v0;
	_ =	sdelay $0x1  }
0x80: {  	v3 =	vperm.xlane v3, v2;
	v4 =	vadd.s32 v1, v4;
	_ =	sdelay $0x1  }
0x81: {  	v3 =	vadd.s32 v1, v3;
	_ =	sdelay $0x1  }
0x82: {  	s0 =	simm.s32 $0x8400  }
0x83: {  	[tilespmem:s0], [sflag:$0x1] =	stream.indirect_vreg.gather [hbm4b:s2+s3], $0x80, v4, vm0, $0xb8;
	[tilespmem:$0x1C400] =	vst v63  }
0x84: {  	s26 =	simm.s32 $0x8C00  }
0x85: {  	[tilespmem:s26], [sflag:$0x1] =	stream.indirect_vreg.gather [hbm4b:s2+s3], $0x80, v3, vm0, $0xb8;
	[tilespmem:$0x1C400] =	vst v63  }
0x86: {  	v3 =	vld [tilespmem:$0x90];
	_ =	sdelay $0x4  }
0x87: {  	v9 =	vshll.u32 v3, $0x1  }
0x88: {  	v3 =	vand.u32 $0x7, v3;
	v4 =	vand.u32 $0xFFFFFFF0, v9  }
0x89: {  	v3 =	vor.u32 v3, v4  }
0x8a: {  	v4 =	vperm.xlane v3, v0;
	_ =	sdelay $0x1  }
0x8b: {  	v3 =	vperm.xlane v3, v2;
	v4 =	vadd.s32 v1, v4;
	_ =	sdelay $0x1  }
0x8c: {  	v3 =	vadd.s32 v1, v3;
	_ =	sdelay $0x2  }
0x8d: {  	[tilespmem:s28], [sflag:$0x1] =	stream.indirect_vreg.gather [hbm4b:s2+s3], $0x80, v4, vm0, $0xb8;
	[tilespmem:$0x1C400] =	vst v63  }
0x8e: {  	_ = 	snop  }
0x8f: {  	[tilespmem:s10], [sflag:$0x1] =	stream.indirect_vreg.gather [hbm4b:s2+s3], $0x80, v3, vm0, $0xb8;
	[tilespmem:$0x1C400] =	vst v63  }
0x90: {  	v3 =	vld [tilespmem:$0xA0];
	_ =	sdelay $0x4  }
0x91: {  	v10 =	vshll.u32 v3, $0x1  }
0x92: {  	v3 =	vand.u32 $0x7, v3;
	v4 =	vand.u32 $0xFFFFFFF0, v10  }
0x93: {  	v3 =	vor.u32 v3, v4  }
0x94: {  	v4 =	vperm.xlane v3, v0;
	_ =	sdelay $0x1  }
0x95: {  	v3 =	vperm.xlane v3, v2;
	v4 =	vadd.s32 v1, v4;
	_ =	sdelay $0x1  }
0x96: {  	v3 =	vadd.s32 v1, v3;
	_ =	sdelay $0x2  }
0x97: {  	[tilespmem:s11], [sflag:$0x1] =	stream.indirect_vreg.gather [hbm4b:s2+s3], $0x80, v4, vm0, $0xb8;
	[tilespmem:$0x1C400] =	vst v63  }
0x98: {  	_ = 	snop  }
0x99: {  	[tilespmem:s8], [sflag:$0x1] =	stream.indirect_vreg.gather [hbm4b:s2+s3], $0x80, v3, vm0, $0xb8;
	[tilespmem:$0x1C400] =	vst v63  }
0x9a: {  	v3 =	vld [tilespmem:$0xB0];
	_ =	sdelay $0x4  }
0x9b: {  	v11 =	vshll.u32 v3, $0x1  }
0x9c: {  	v3 =	vand.u32 $0x7, v3;
	v4 =	vand.u32 $0xFFFFFFF0, v11  }
0x9d: {  	v3 =	vor.u32 v3, v4  }
0x9e: {  	v4 =	vperm.xlane v3, v0;
	_ =	sdelay $0x1  }
0x9f: {  	v3 =	vperm.xlane v3, v2;
	v4 =	vadd.s32 v1, v4;
	_ =	sdelay $0x1  }
0xa0: {  	v3 =	vadd.s32 v1, v3;
	_ =	sdelay $0x2  }
0xa1: {  	[tilespmem:s31], [sflag:$0x1] =	stream.indirect_vreg.gather [hbm4b:s2+s3], $0x80, v4, vm0, $0xb8;
	[tilespmem:$0x1C400] =	vst v63  }
0xa2: {  	_ = 	snop  }
0xa3: {  	[tilespmem:s9], [sflag:$0x1] =	stream.indirect_vreg.gather [hbm4b:s2+s3], $0x80, v3, vm0, $0xb8;
	[tilespmem:$0x1C400] =	vst v63  }
0xa4: {  	v3 =	vld [tilespmem:$0xC0];
	_ =	sdelay $0x4  }
0xa5: {  	v12 =	vshll.u32 v3, $0x1  }
0xa6: {  	v3 =	vand.u32 $0x7, v3;
	v4 =	vand.u32 $0xFFFFFFF0, v12  }
0xa7: {  	v3 =	vor.u32 v3, v4  }
0xa8: {  	v4 =	vperm.xlane v3, v0;
	_ =	sdelay $0x1  }
0xa9: {  	v3 =	vperm.xlane v3, v2;
	v4 =	vadd.s32 v1, v4;
	_ =	sdelay $0x1  }
0xaa: {  	v3 =	vadd.s32 v1, v3;
	_ =	sdelay $0x2  }
0xab: {  	[tilespmem:s25], [sflag:$0x1] =	stream.indirect_vreg.gather [hbm4b:s2+s3], $0x80, v4, vm0, $0xb8;
	[tilespmem:$0x1C400] =	vst v63  }
0xac: {  	_ = 	snop  }
0xad: {  	[tilespmem:s15], [sflag:$0x1] =	stream.indirect_vreg.gather [hbm4b:s2+s3], $0x80, v3, vm0, $0xb8;
	[tilespmem:$0x1C400] =	vst v63  }
0xae: {  	v3 =	vld [tilespmem:$0xD0];
	_ =	sdelay $0x4  }
0xaf: {  	v13 =	vshll.u32 v3, $0x1  }
0xb0: {  	v3 =	vand.u32 $0x7, v3;
	v4 =	vand.u32 $0xFFFFFFF0, v13  }
0xb1: {  	v3 =	vor.u32 v3, v4  }
0xb2: {  	v4 =	vperm.xlane v3, v0;
	_ =	sdelay $0x1  }
0xb3: {  	v3 =	vperm.xlane v3, v2;
	v4 =	vadd.s32 v1, v4;
	_ =	sdelay $0x1  }
0xb4: {  	v3 =	vadd.s32 v1, v3;
	_ =	sdelay $0x2  }
0xb5: {  	[tilespmem:s17], [sflag:$0x1] =	stream.indirect_vreg.gather [hbm4b:s2+s3], $0x80, v4, vm0, $0xb8;
	[tilespmem:$0x1C400] =	vst v63  }
0xb6: {  	_ = 	snop  }
0xb7: {  	[tilespmem:s18], [sflag:$0x1] =	stream.indirect_vreg.gather [hbm4b:s2+s3], $0x80, v3, vm0, $0xb8;
	[tilespmem:$0x1C400] =	vst v63  }
0xb8: {  	v3 =	vld [tilespmem:$0xE0];
	_ =	sdelay $0x4  }
0xb9: {  	v14 =	vshll.u32 v3, $0x1  }
0xba: {  	v3 =	vand.u32 $0x7, v3;
	v4 =	vand.u32 $0xFFFFFFF0, v14  }
0xbb: {  	v3 =	vor.u32 v3, v4  }
0xbc: {  	v4 =	vperm.xlane v3, v0;
	_ =	sdelay $0x1  }
0xbd: {  	v3 =	vperm.xlane v3, v2;
	v4 =	vadd.s32 v1, v4;
	_ =	sdelay $0x1  }
0xbe: {  	v3 =	vadd.s32 v1, v3;
	_ =	sdelay $0x2  }
0xbf: {  	[tilespmem:s19], [sflag:$0x1] =	stream.indirect_vreg.gather [hbm4b:s2+s3], $0x80, v4, vm0, $0xb8;
	[tilespmem:$0x1C400] =	vst v63  }
0xc0: {  	_ = 	snop  }
0xc1: {  	[tilespmem:s20], [sflag:$0x1] =	stream.indirect_vreg.gather [hbm4b:s2+s3], $0x80, v3, vm0, $0xb8;
	[tilespmem:$0x1C400] =	vst v63  }
0xc2: {  	v3 =	vld [tilespmem:$0xF0];
	_ =	sdelay $0x4  }
0xc3: {  	v15 =	vshll.u32 v3, $0x1  }
0xc4: {  	v3 =	vand.u32 $0x7, v3;
	v4 =	vand.u32 $0xFFFFFFF0, v15  }
0xc5: {  	v3 =	vor.u32 v3, v4  }
0xc6: {  	v4 =	vperm.xlane v3, v0;
	_ =	sdelay $0x1  }
0xc7: {  	v3 =	vperm.xlane v3, v2;
	v4 =	vadd.s32 v1, v4;
	_ =	sdelay $0x1  }
0xc8: {  	v3 =	vadd.s32 v1, v3;
	_ =	sdelay $0x2  }
0xc9: {  	[tilespmem:s21], [sflag:$0x1] =	stream.indirect_vreg.gather [hbm4b:s2+s3], $0x80, v4, vm0, $0xb8;
	[tilespmem:$0x1C400] =	vst v63  }
0xca: {  	_ = 	snop  }
0xcb: {  	[tilespmem:s22], [sflag:$0x1] =	stream.indirect_vreg.gather [hbm4b:s2+s3], $0x80, v3, vm0, $0xb8;
	[tilespmem:$0x1C400] =	vst v63  }
0xcc: {  	v3 =	vld [tilespmem:$0x100];
	_ =	sdelay $0x4  }
0xcd: {  	v16 =	vshll.u32 v3, $0x1  }
0xce: {  	v3 =	vand.u32 $0x7, v3;
	v4 =	vand.u32 $0xFFFFFFF0, v16  }
0xcf: {  	v3 =	vor.u32 v3, v4  }
0xd0: {  	v4 =	vperm.xlane v3, v0;
	_ =	sdelay $0x1  }
0xd1: {  	v3 =	vperm.xlane v3, v2;
	v4 =	vadd.s32 v1, v4;
	_ =	sdelay $0x1  }
0xd2: {  	v3 =	vadd.s32 v1, v3;
	_ =	sdelay $0x2  }
0xd3: {  	[tilespmem:s23], [sflag:$0x1] =	stream.indirect_vreg.gather [hbm4b:s2+s3], $0x80, v4, vm0, $0xb8;
	[tilespmem:$0x1C400] =	vst v63  }
0xd4: {  	s1 =	simm.s32 $0x10C00  }
0xd5: {  	[tilespmem:s1], [sflag:$0x1] =	stream.indirect_vreg.gather [hbm4b:s2+s3], $0x80, v3, vm0, $0xb8;
	[tilespmem:$0x1C400] =	vst v63  }
0xd6: {  	v3 =	vld [tilespmem:$0x110];
	_ =	sdelay $0x4  }
0xd7: {  	v17 =	vshll.u32 v3, $0x1  }
0xd8: {  	v3 =	vand.u32 $0x7, v3;
	v4 =	vand.u32 $0xFFFFFFF0, v17  }
0xd9: {  	v3 =	vor.u32 v3, v4  }
0xda: {  	v4 =	vperm.xlane v3, v0;
	_ =	sdelay $0x1  }
0xdb: {  	v3 =	vperm.xlane v3, v2;
	v4 =	vadd.s32 v1, v4;
	_ =	sdelay $0x1  }
0xdc: {  	v3 =	vadd.s32 v1, v3;
	_ =	sdelay $0x1  }
0xdd: {  	s24 =	simm.s32 $0x11400  }
0xde: {  	[tilespmem:s24], [sflag:$0x1] =	stream.indirect_vreg.gather [hbm4b:s2+s3], $0x80, v4, vm0, $0xb8;
	[tilespmem:$0x1C400] =	vst v63  }
0xdf: {  	s4 =	simm.s32 $0x11C00  }
0xe0: {  	[tilespmem:s4], [sflag:$0x1] =	stream.indirect_vreg.gather [hbm4b:s2+s3], $0x80, v3, vm0, $0xb8;
	[tilespmem:$0x1C400] =	vst v63  }
0xe1: {  	v3 =	vld [tilespmem:$0x120];
	_ =	sdelay $0x4  }
0xe2: {  	v18 =	vshll.u32 v3, $0x1  }
0xe3: {  	v3 =	vand.u32 $0x7, v3;
	v4 =	vand.u32 $0xFFFFFFF0, v18  }
0xe4: {  	v3 =	vor.u32 v3, v4  }
0xe5: {  	v4 =	vperm.xlane v3, v0;
	_ =	sdelay $0x1  }
0xe6: {  	v3 =	vperm.xlane v3, v2;
	v4 =	vadd.s32 v1, v4;
	_ =	sdelay $0x1  }
0xe7: {  	v3 =	vadd.s32 v1, v3;
	_ =	sdelay $0x2  }
0xe8: {  	[tilespmem:s12], [sflag:$0x1] =	stream.indirect_vreg.gather [hbm4b:s2+s3], $0x80, v4, vm0, $0xb8;
	[tilespmem:$0x1C400] =	vst v63  }
0xe9: {  	_ = 	snop  }
0xea: {  	[tilespmem:s13], [sflag:$0x1] =	stream.indirect_vreg.gather [hbm4b:s2+s3], $0x80, v3, vm0, $0xb8;
	[tilespmem:$0x1C400] =	vst v63  }
0xeb: {  	v3 =	vld [tilespmem:$0x130];
	_ =	sdelay $0x4  }
0xec: {  	v19 =	vshll.u32 v3, $0x1  }
0xed: {  	v3 =	vand.u32 $0x7, v3;
	v4 =	vand.u32 $0xFFFFFFF0, v19  }
0xee: {  	v3 =	vor.u32 v3, v4  }
0xef: {  	v4 =	vperm.xlane v3, v0;
	_ =	sdelay $0x1  }
0xf0: {  	v3 =	vperm.xlane v3, v2;
	v4 =	vadd.s32 v1, v4;
	_ =	sdelay $0x1  }
0xf1: {  	v3 =	vadd.s32 v1, v3;
	_ =	sdelay $0x2  }
0xf2: {  	[tilespmem:s14], [sflag:$0x1] =	stream.indirect_vreg.gather [hbm4b:s2+s3], $0x80, v4, vm0, $0xb8;
	[tilespmem:$0x1C400] =	vst v63  }
0xf3: {  	_ = 	snop  }
0xf4: {  	[tilespmem:s16], [sflag:$0x1] =	stream.indirect_vreg.gather [hbm4b:s2+s3], $0x80, v3, vm0, $0xb8;
	[tilespmem:$0x1C400] =	vst v63  }
0xf5: {  	v3 =	vld [tilespmem:$0x140];
	_ =	sdelay $0x4  }
0xf6: {  	v20 =	vshll.u32 v3, $0x1  }
0xf7: {  	v3 =	vand.u32 $0x7, v3;
	v4 =	vand.u32 $0xFFFFFFF0, v20  }
0xf8: {  	v3 =	vor.u32 v3, v4  }
0xf9: {  	v4 =	vperm.xlane v3, v0;
	_ =	sdelay $0x1  }
0xfa: {  	v3 =	vperm.xlane v3, v2;
	v4 =	vadd.s32 v1, v4;
	_ =	sdelay $0x1  }
0xfb: {  	v3 =	vadd.s32 v1, v3;
	_ =	sdelay $0x1  }
0xfc: {  	s1 =	simm.s32 $0x14400  }
0xfd: {  	[tilespmem:s1], [sflag:$0x1] =	stream.indirect_vreg.gather [hbm4b:s2+s3], $0x80, v4, vm0, $0xb8;
	[tilespmem:$0x1C400] =	vst v63  }
0xfe: {  	s24 =	simm.s32 $0x14C00  }
0xff: {  	[tilespmem:s24], [sflag:$0x1] =	stream.indirect_vreg.gather [hbm4b:s2+s3], $0x80, v3, vm0, $0xb8;
	[tilespmem:$0x1C400] =	vst v63  }
0x100: {  	v3 =	vld [tilespmem:$0x150];
	_ =	sdelay $0x4  }
0x101: {  	v21 =	vshll.u32 v3, $0x1  }
0x102: {  	v3 =	vand.u32 $0x7, v3;
	v4 =	vand.u32 $0xFFFFFFF0, v21  }
0x103: {  	v3 =	vor.u32 v3, v4  }
0x104: {  	v4 =	vperm.xlane v3, v0;
	_ =	sdelay $0x1  }
0x105: {  	v3 =	vperm.xlane v3, v2;
	v4 =	vadd.s32 v1, v4;
	_ =	sdelay $0x1  }
0x106: {  	v3 =	vadd.s32 v1, v3;
	_ =	sdelay $0x1  }
0x107: {  	s24 =	simm.s32 $0x15400  }
0x108: {  	[tilespmem:s24], [sflag:$0x1] =	stream.indirect_vreg.gather [hbm4b:s2+s3], $0x80, v4, vm0, $0xb8;
	[tilespmem:$0x1C400] =	vst v63  }
0x109: {  	s24 =	simm.s32 $0x15C00  }
0x10a: {  	[tilespmem:s24], [sflag:$0x1] =	stream.indirect_vreg.gather [hbm4b:s2+s3], $0x80, v3, vm0, $0xb8;
	[tilespmem:$0x1C400] =	vst v63  }
0x10b: {  	v3 =	vld [tilespmem:$0x160];
	_ =	sdelay $0x4  }
0x10c: {  	v22 =	vshll.u32 v3, $0x1  }
0x10d: {  	v3 =	vand.u32 $0x7, v3;
	v4 =	vand.u32 $0xFFFFFFF0, v22  }
0x10e: {  	v3 =	vor.u32 v3, v4  }
0x10f: {  	v4 =	vperm.xlane v3, v0;
	_ =	sdelay $0x1  }
0x110: {  	v3 =	vperm.xlane v3, v2;
	v4 =	vadd.s32 v1, v4;
	_ =	sdelay $0x1  }
0x111: {  	v3 =	vadd.s32 v1, v3;
	_ =	sdelay $0x1  }
0x112: {  	s24 =	simm.s32 $0x16400  }
0x113: {  	[tilespmem:s24], [sflag:$0x1] =	stream.indirect_vreg.gather [hbm4b:s2+s3], $0x80, v4, vm0, $0xb8;
	[tilespmem:$0x1C400] =	vst v63  }
0x114: {  	s24 =	simm.s32 $0x16C00  }
0x115: {  	[tilespmem:s24], [sflag:$0x1] =	stream.indirect_vreg.gather [hbm4b:s2+s3], $0x80, v3, vm0, $0xb8;
	[tilespmem:$0x1C400] =	vst v63  }
0x116: {  	v3 =	vld [tilespmem:$0x170];
	_ =	sdelay $0x4  }
0x117: {  	v23 =	vshll.u32 v3, $0x1  }
0x118: {  	v3 =	vand.u32 $0x7, v3;
	v4 =	vand.u32 $0xFFFFFFF0, v23  }
0x119: {  	v3 =	vor.u32 v3, v4  }
0x11a: {  	v4 =	vperm.xlane v3, v0;
	_ =	sdelay $0x1  }
0x11b: {  	v3 =	vperm.xlane v3, v2;
	v4 =	vadd.s32 v1, v4;
	_ =	sdelay $0x1  }
0x11c: {  	v3 =	vadd.s32 v1, v3;
	_ =	sdelay $0x1  }
0x11d: {  	s24 =	simm.s32 $0x17400  }
0x11e: {  	[tilespmem:s24], [sflag:$0x1] =	stream.indirect_vreg.gather [hbm4b:s2+s3], $0x80, v4, vm0, $0xb8;
	[tilespmem:$0x1C400] =	vst v63  }
0x11f: {  	s24 =	simm.s32 $0x17C00  }
0x120: {  	[tilespmem:s24], [sflag:$0x1] =	stream.indirect_vreg.gather [hbm4b:s2+s3], $0x80, v3, vm0, $0xb8;
	[tilespmem:$0x1C400] =	vst v63  }
0x121: {  	v3 =	vld [tilespmem:$0x180];
	_ =	sdelay $0x4  }
0x122: {  	v24 =	vshll.u32 v3, $0x1  }
0x123: {  	v3 =	vand.u32 $0x7, v3;
	v4 =	vand.u32 $0xFFFFFFF0, v24  }
0x124: {  	v3 =	vor.u32 v3, v4  }
0x125: {  	v4 =	vperm.xlane v3, v0;
	_ =	sdelay $0x1  }
0x126: {  	v3 =	vperm.xlane v3, v2;
	v4 =	vadd.s32 v1, v4;
	_ =	sdelay $0x1  }
0x127: {  	v3 =	vadd.s32 v1, v3;
	_ =	sdelay $0x1  }
0x128: {  	s4 =	simm.s32 $0x18400  }
0x129: {  	[tilespmem:s4], [sflag:$0x1] =	stream.indirect_vreg.gather [hbm4b:s2+s3], $0x80, v4, vm0, $0xb8;
	[tilespmem:$0x1C400] =	vst v63  }
0x12a: {  	s24 =	simm.s32 $0x18C00  }
0x12b: {  	[tilespmem:s24], [sflag:$0x1] =	stream.indirect_vreg.gather [hbm4b:s2+s3], $0x80, v3, vm0, $0xb8;
	[tilespmem:$0x1C400] =	vst v63  }
0x12c: {  	v3 =	vld [tilespmem:$0x190];
	_ =	sdelay $0x4  }
0x12d: {  	v25 =	vshll.u32 v3, $0x1  }
0x12e: {  	v3 =	vand.u32 $0x7, v3;
	v4 =	vand.u32 $0xFFFFFFF0, v25  }
0x12f: {  	v3 =	vor.u32 v3, v4  }
0x130: {  	v4 =	vperm.xlane v3, v0;
	_ =	sdelay $0x1  }
0x131: {  	v3 =	vperm.xlane v3, v2;
	v4 =	vadd.s32 v1, v4;
	_ =	sdelay $0x1  }
0x132: {  	v3 =	vadd.s32 v1, v3;
	_ =	sdelay $0x1  }
0x133: {  	s24 =	simm.s32 $0x19400  }
0x134: {  	[tilespmem:s24], [sflag:$0x1] =	stream.indirect_vreg.gather [hbm4b:s2+s3], $0x80, v4, vm0, $0xb8;
	[tilespmem:$0x1C400] =	vst v63  }
0x135: {  	s24 =	simm.s32 $0x19C00  }
0x136: {  	[tilespmem:s24], [sflag:$0x1] =	stream.indirect_vreg.gather [hbm4b:s2+s3], $0x80, v3, vm0, $0xb8;
	[tilespmem:$0x1C400] =	vst v63  }
0x137: {  	v3 =	vld [tilespmem:$0x1A0];
	_ =	sdelay $0x4  }
0x138: {  	v26 =	vshll.u32 v3, $0x1  }
0x139: {  	v3 =	vand.u32 $0x7, v3;
	v4 =	vand.u32 $0xFFFFFFF0, v26  }
0x13a: {  	v3 =	vor.u32 v3, v4  }
0x13b: {  	v4 =	vperm.xlane v3, v0;
	_ =	sdelay $0x1  }
0x13c: {  	v3 =	vperm.xlane v3, v2;
	v4 =	vadd.s32 v1, v4;
	_ =	sdelay $0x1  }
0x13d: {  	v3 =	vadd.s32 v1, v3;
	_ =	sdelay $0x1  }
0x13e: {  	s24 =	simm.s32 $0x1A400  }
0x13f: {  	[tilespmem:s24], [sflag:$0x1] =	stream.indirect_vreg.gather [hbm4b:s2+s3], $0x80, v4, vm0, $0xb8;
	[tilespmem:$0x1C400] =	vst v63  }
0x140: {  	s24 =	simm.s32 $0x1AC00  }
0x141: {  	[tilespmem:s24], [sflag:$0x1] =	stream.indirect_vreg.gather [hbm4b:s2+s3], $0x80, v3, vm0, $0xb8;
	[tilespmem:$0x1C400] =	vst v63  }
0x142: {  	v3 =	vld [tilespmem:$0x1B0];
	_ =	sdelay $0x4  }
0x143: {  	v27 =	vshll.u32 v3, $0x1  }
0x144: {  	v3 =	vand.u32 $0x7, v3;
	v4 =	vand.u32 $0xFFFFFFF0, v27  }
0x145: {  	v3 =	vor.u32 v3, v4  }
0x146: {  	v4 =	vperm.xlane v3, v0;
	_ =	sdelay $0x1  }
0x147: {  	v3 =	vperm.xlane v3, v2;
	v4 =	vadd.s32 v1, v4;
	_ =	sdelay $0x1  }
0x148: {  	v3 =	vadd.s32 v1, v3;
	_ =	sdelay $0x1  }
0x149: {  	s24 =	simm.s32 $0x1B400  }
0x14a: {  	[tilespmem:s24], [sflag:$0x1] =	stream.indirect_vreg.gather [hbm4b:s2+s3], $0x80, v4, vm0, $0xb8;
	[tilespmem:$0x1C400] =	vst v63  }
0x14b: {  	s24 =	simm.s32 $0x1BC00  }
0x14c: {  	[tilespmem:s24], [sflag:$0x1] =	stream.indirect_vreg.gather [hbm4b:s2+s3], $0x80, v3, vm0, $0xb8;
	[tilespmem:$0x1C400] =	vst v63  }
0x14d: {  	_ =	swait.ge [sflag:s29], $0x4000  }
0x14e: {  	[sflag:s29] =	ssyncset.done $0x0  }
0x14f: {  	s24 =	rddreg [dreg:$0x15];
	[sflag:s29] =	ssyncadd.s32 $0xFFFFC000  }
0x150: {  	[hbm4b:s24+s3] =	stream.linear.scatter [tilespmem:s6], [sflag:$0x2], $0x4000, $0x38;
	[tilespmem:$0x1C400] =	vst v63  }
0x151: {  	_ =	swait.ge [sflag:s29], $0x4000  }
0x152: {  	[sflag:s29] =	ssyncset.done $0x0  }
0x153: {  	s24 =	rddreg [dreg:$0x5];
	[sflag:s29] =	ssyncadd.s32 $0xFFFFC000  }
0x154: {  	[hbm4b:s24+s3] =	stream.linear.scatter [tilespmem:s7], [sflag:$0x2], $0x4000, $0x38;
	[tilespmem:$0x1C400] =	vst v63  }
0x155: {  	_ =	swait.ge [sflag:s29], $0x4000  }
0x156: {  	[sflag:s29] =	ssyncset.done $0x0  }
0x157: {  	s24 =	rddreg [dreg:$0x6];
	[sflag:s29] =	ssyncadd.s32 $0xFFFFC000  }
0x158: {  	[hbm4b:s24+s3] =	stream.linear.scatter [tilespmem:s0], [sflag:$0x2], $0x4000, $0x38;
	[tilespmem:$0x1C400] =	vst v63  }
0x159: {  	_ =	swait.ge [sflag:s29], $0x4000  }
0x15a: {  	[sflag:s29] =	ssyncset.done $0x0  }
0x15b: {  	s24 =	rddreg [dreg:$0x7];
	[sflag:s29] =	ssyncadd.s32 $0xFFFFC000  }
0x15c: {  	[hbm4b:s24+s3] =	stream.linear.scatter [tilespmem:s25], [sflag:$0x2], $0x4000, $0x38;
	[tilespmem:$0x1C400] =	vst v63  }
0x15d: {  	_ =	swait.ge [sflag:s29], $0x4000  }
0x15e: {  	[sflag:s29] =	ssyncset.done $0x0  }
0x15f: {  	s24 =	rddreg [dreg:$0x8];
	[sflag:s29] =	ssyncadd.s32 $0xFFFFC000  }
0x160: {  	[hbm4b:s24+s3] =	stream.linear.scatter [tilespmem:s23], [sflag:$0x2], $0x4000, $0x38;
	[tilespmem:$0x1C400] =	vst v63  }
0x161: {  	_ =	swait.ge [sflag:s29], $0x4000  }
0x162: {  	[sflag:s29] =	ssyncset.done $0x0  }
0x163: {  	s24 =	rddreg [dreg:$0x9];
	[sflag:s29] =	ssyncadd.s32 $0xFFFFC000  }
0x164: {  	[hbm4b:s24+s3] =	stream.linear.scatter [tilespmem:s1], [sflag:$0x2], $0x4000, $0x38;
	[tilespmem:$0x1C400] =	vst v63  }
0x165: {  	_ =	swait.ge [sflag:s30], $0x4000  }
0x166: {  	[sflag:s30] =	ssyncset.done $0x0  }
0x167: {  	[sflag:s30] =	ssyncadd.s32 $0xFFFFC000  }
0x168: {  	v3 =	vld [tilespmem:$0x1C0];
	_ =	sdelay $0x4  }
0x169: {  	v28 =	vshll.u32 v3, $0x1  }
0x16a: {  	v3 =	vand.u32 $0x7, v3;
	v4 =	vand.u32 $0xFFFFFFF0, v28  }
0x16b: {  	v3 =	vor.u32 v3, v4  }
0x16c: {  	v4 =	vperm.xlane v3, v0;
	_ =	sdelay $0x1  }
0x16d: {  	v3 =	vperm.xlane v3, v2;
	v4 =	vadd.s32 v1, v4;
	_ =	sdelay $0x1  }
0x16e: {  	v3 =	vadd.s32 v1, v3;
	_ =	sdelay $0x2  }
0x16f: {  	[tilespmem:s6], [sflag:$0x1] =	stream.indirect_vreg.gather [hbm4b:s2+s3], $0x80, v4, vm0, $0xb8;
	[tilespmem:$0x1C400] =	vst v63  }
0x170: {  	s24 =	simm.s32 $0xC00  }
0x171: {  	[tilespmem:s24], [sflag:$0x1] =	stream.indirect_vreg.gather [hbm4b:s2+s3], $0x80, v3, vm0, $0xb8;
	[tilespmem:$0x1C400] =	vst v63  }
0x172: {  	v3 =	vld [tilespmem:$0x1D0];
	_ =	sdelay $0x4  }
0x173: {  	v29 =	vshll.u32 v3, $0x1  }
0x174: {  	v3 =	vand.u32 $0x7, v3;
	v4 =	vand.u32 $0xFFFFFFF0, v29  }
0x175: {  	v3 =	vor.u32 v3, v4  }
0x176: {  	v4 =	vperm.xlane v3, v0;
	_ =	sdelay $0x1  }
0x177: {  	v3 =	vperm.xlane v3, v2;
	v4 =	vadd.s32 v1, v4;
	_ =	sdelay $0x1  }
0x178: {  	v3 =	vadd.s32 v1, v3;
	_ =	sdelay $0x1  }
0x179: {  	s24 =	simm.s32 $0x1400  }
0x17a: {  	[tilespmem:s24], [sflag:$0x1] =	stream.indirect_vreg.gather [hbm4b:s2+s3], $0x80, v4, vm0, $0xb8;
	[tilespmem:$0x1C400] =	vst v63  }
0x17b: {  	s24 =	simm.s32 $0x1C00  }
0x17c: {  	[tilespmem:s24], [sflag:$0x1] =	stream.indirect_vreg.gather [hbm4b:s2+s3], $0x80, v3, vm0, $0xb8;
	[tilespmem:$0x1C400] =	vst v63  }
0x17d: {  	v3 =	vld [tilespmem:$0x1E0];
	_ =	sdelay $0x4  }
0x17e: {  	v30 =	vshll.u32 v3, $0x1  }
0x17f: {  	v3 =	vand.u32 $0x7, v3;
	v4 =	vand.u32 $0xFFFFFFF0, v30  }
0x180: {  	v3 =	vor.u32 v3, v4  }
0x181: {  	v4 =	vperm.xlane v3, v0;
	_ =	sdelay $0x1  }
0x182: {  	v3 =	vperm.xlane v3, v2;
	v4 =	vadd.s32 v1, v4;
	_ =	sdelay $0x1  }
0x183: {  	v3 =	vadd.s32 v1, v3;
	_ =	sdelay $0x1  }
0x184: {  	s24 =	simm.s32 $0x2400  }
0x185: {  	[tilespmem:s24], [sflag:$0x1] =	stream.indirect_vreg.gather [hbm4b:s2+s3], $0x80, v4, vm0, $0xb8;
	[tilespmem:$0x1C400] =	vst v63  }
0x186: {  	s24 =	simm.s32 $0x2C00  }
0x187: {  	[tilespmem:s24], [sflag:$0x1] =	stream.indirect_vreg.gather [hbm4b:s2+s3], $0x80, v3, vm0, $0xb8;
	[tilespmem:$0x1C400] =	vst v63  }
0x188: {  	v3 =	vld [tilespmem:$0x1F0];
	_ =	sdelay $0x4  }
0x189: {  	v31 =	vshll.u32 v3, $0x1  }
0x18a: {  	v3 =	vand.u32 $0x7, v3;
	v4 =	vand.u32 $0xFFFFFFF0, v31  }
0x18b: {  	v3 =	vor.u32 v3, v4  }
0x18c: {  	v4 =	vperm.xlane v3, v0;
	_ =	sdelay $0x1  }
0x18d: {  	v3 =	vperm.xlane v3, v2;
	v4 =	vadd.s32 v1, v4;
	_ =	sdelay $0x1  }
0x18e: {  	v3 =	vadd.s32 v1, v3;
	_ =	sdelay $0x1  }
0x18f: {  	s24 =	simm.s32 $0x3400  }
0x190: {  	[tilespmem:s24], [sflag:$0x1] =	stream.indirect_vreg.gather [hbm4b:s2+s3], $0x80, v4, vm0, $0xb8;
	[tilespmem:$0x1C400] =	vst v63  }
0x191: {  	s24 =	simm.s32 $0x3C00  }
0x192: {  	[tilespmem:s24], [sflag:$0x1] =	stream.indirect_vreg.gather [hbm4b:s2+s3], $0x80, v3, vm0, $0xb8;
	[tilespmem:$0x1C400] =	vst v63  }
0x193: {  	_ =	swait.ge [sflag:s29], $0x4000  }
0x194: {  	[sflag:s29] =	ssyncset.done $0x0  }
0x195: {  	s24 =	rddreg [dreg:$0xa];
	[sflag:s29] =	ssyncadd.s32 $0xFFFFC000  }
0x196: {  	[hbm4b:s24+s3] =	stream.linear.scatter [tilespmem:s4], [sflag:$0x2], $0x4000, $0x38;
	[tilespmem:$0x1C400] =	vst v63  }
0x197: {  	_ =	swait.ge [sflag:s30], $0x4000  }
0x198: {  	[sflag:s30] =	ssyncset.done $0x0  }
0x199: {  	[sflag:s30] =	ssyncadd.s32 $0xFFFFC000  }
0x19a: {  	v3 =	vld [tilespmem:$0x200];
	_ =	sdelay $0x4  }
0x19b: {  	v32 =	vshll.u32 v3, $0x1  }
0x19c: {  	v3 =	vand.u32 $0x7, v3;
	v4 =	vand.u32 $0xFFFFFFF0, v32  }
0x19d: {  	v3 =	vor.u32 v3, v4  }
0x19e: {  	v4 =	vperm.xlane v3, v0;
	_ =	sdelay $0x1  }
0x19f: {  	v3 =	vperm.xlane v3, v2;
	v4 =	vadd.s32 v1, v4;
	_ =	sdelay $0x1  }
0x1a0: {  	v3 =	vadd.s32 v1, v3;
	_ =	sdelay $0x2  }
0x1a1: {  	[tilespmem:s7], [sflag:$0x1] =	stream.indirect_vreg.gather [hbm4b:s2+s3], $0x80, v4, vm0, $0xb8;
	[tilespmem:$0x1C400] =	vst v63  }
0x1a2: {  	s24 =	simm.s32 $0x4C00  }
0x1a3: {  	[tilespmem:s24], [sflag:$0x1] =	stream.indirect_vreg.gather [hbm4b:s2+s3], $0x80, v3, vm0, $0xb8;
	[tilespmem:$0x1C400] =	vst v63  }
0x1a4: {  	v3 =	vld [tilespmem:$0x210];
	_ =	sdelay $0x4  }
0x1a5: {  	v33 =	vshll.u32 v3, $0x1  }
0x1a6: {  	v3 =	vand.u32 $0x7, v3;
	v4 =	vand.u32 $0xFFFFFFF0, v33  }
0x1a7: {  	v3 =	vor.u32 v3, v4  }
0x1a8: {  	v4 =	vperm.xlane v3, v0;
	_ =	sdelay $0x1  }
0x1a9: {  	v3 =	vperm.xlane v3, v2;
	v4 =	vadd.s32 v1, v4;
	_ =	sdelay $0x1  }
0x1aa: {  	v3 =	vadd.s32 v1, v3;
	_ =	sdelay $0x1  }
0x1ab: {  	s24 =	simm.s32 $0x5400  }
0x1ac: {  	[tilespmem:s24], [sflag:$0x1] =	stream.indirect_vreg.gather [hbm4b:s2+s3], $0x80, v4, vm0, $0xb8;
	[tilespmem:$0x1C400] =	vst v63  }
0x1ad: {  	s24 =	simm.s32 $0x5C00  }
0x1ae: {  	[tilespmem:s24], [sflag:$0x1] =	stream.indirect_vreg.gather [hbm4b:s2+s3], $0x80, v3, vm0, $0xb8;
	[tilespmem:$0x1C400] =	vst v63  }
0x1af: {  	v3 =	vld [tilespmem:$0x220];
	_ =	sdelay $0x4  }
0x1b0: {  	v34 =	vshll.u32 v3, $0x1  }
0x1b1: {  	v3 =	vand.u32 $0x7, v3;
	v4 =	vand.u32 $0xFFFFFFF0, v34  }
0x1b2: {  	v3 =	vor.u32 v3, v4  }
0x1b3: {  	v4 =	vperm.xlane v3, v0;
	_ =	sdelay $0x1  }
0x1b4: {  	v3 =	vperm.xlane v3, v2;
	v4 =	vadd.s32 v1, v4;
	_ =	sdelay $0x1  }
0x1b5: {  	v3 =	vadd.s32 v1, v3;
	_ =	sdelay $0x1  }
0x1b6: {  	s24 =	simm.s32 $0x6400  }
0x1b7: {  	[tilespmem:s24], [sflag:$0x1] =	stream.indirect_vreg.gather [hbm4b:s2+s3], $0x80, v4, vm0, $0xb8;
	[tilespmem:$0x1C400] =	vst v63  }
0x1b8: {  	s24 =	simm.s32 $0x6C00  }
0x1b9: {  	[tilespmem:s24], [sflag:$0x1] =	stream.indirect_vreg.gather [hbm4b:s2+s3], $0x80, v3, vm0, $0xb8;
	[tilespmem:$0x1C400] =	vst v63  }
0x1ba: {  	v3 =	vld [tilespmem:$0x230];
	_ =	sdelay $0x4  }
0x1bb: {  	v35 =	vshll.u32 v3, $0x1  }
0x1bc: {  	v3 =	vand.u32 $0x7, v3;
	v4 =	vand.u32 $0xFFFFFFF0, v35  }
0x1bd: {  	v3 =	vor.u32 v3, v4  }
0x1be: {  	v4 =	vperm.xlane v3, v0;
	_ =	sdelay $0x1  }
0x1bf: {  	v3 =	vperm.xlane v3, v2;
	v4 =	vadd.s32 v1, v4;
	_ =	sdelay $0x1  }
0x1c0: {  	v3 =	vadd.s32 v1, v3;
	_ =	sdelay $0x1  }
0x1c1: {  	s24 =	simm.s32 $0x7400  }
0x1c2: {  	[tilespmem:s24], [sflag:$0x1] =	stream.indirect_vreg.gather [hbm4b:s2+s3], $0x80, v4, vm0, $0xb8;
	[tilespmem:$0x1C400] =	vst v63  }
0x1c3: {  	s24 =	simm.s32 $0x7C00  }
0x1c4: {  	[tilespmem:s24], [sflag:$0x1] =	stream.indirect_vreg.gather [hbm4b:s2+s3], $0x80, v3, vm0, $0xb8;
	[tilespmem:$0x1C400] =	vst v63  }
0x1c5: {  	_ =	swait.ge [sflag:s29], $0x4000  }
0x1c6: {  	[sflag:s29] =	ssyncset.done $0x0  }
0x1c7: {  	s24 =	rddreg [dreg:$0xb];
	[sflag:s29] =	ssyncadd.s32 $0xFFFFC000  }
0x1c8: {  	[hbm4b:s24+s3] =	stream.linear.scatter [tilespmem:s6], [sflag:$0x2], $0x4000, $0x38;
	[tilespmem:$0x1C400] =	vst v63  }
0x1c9: {  	_ =	swait.ge [sflag:s30], $0x4000  }
0x1ca: {  	[sflag:s30] =	ssyncset.done $0x0  }
0x1cb: {  	[sflag:s30] =	ssyncadd.s32 $0xFFFFC000  }
0x1cc: {  	v3 =	vld [tilespmem:$0x240];
	_ =	sdelay $0x4  }
0x1cd: {  	v36 =	vshll.u32 v3, $0x1  }
0x1ce: {  	v3 =	vand.u32 $0x7, v3;
	v4 =	vand.u32 $0xFFFFFFF0, v36  }
0x1cf: {  	v3 =	vor.u32 v3, v4  }
0x1d0: {  	v4 =	vperm.xlane v3, v0;
	_ =	sdelay $0x1  }
0x1d1: {  	v3 =	vperm.xlane v3, v2;
	v4 =	vadd.s32 v1, v4;
	_ =	sdelay $0x1  }
0x1d2: {  	v3 =	vadd.s32 v1, v3;
	_ =	sdelay $0x2  }
0x1d3: {  	[tilespmem:s0], [sflag:$0x1] =	stream.indirect_vreg.gather [hbm4b:s2+s3], $0x80, v4, vm0, $0xb8;
	[tilespmem:$0x1C400] =	vst v63  }
0x1d4: {  	_ = 	snop  }
0x1d5: {  	[tilespmem:s26], [sflag:$0x1] =	stream.indirect_vreg.gather [hbm4b:s2+s3], $0x80, v3, vm0, $0xb8;
	[tilespmem:$0x1C400] =	vst v63  }
0x1d6: {  	v3 =	vld [tilespmem:$0x250];
	_ =	sdelay $0x4  }
0x1d7: {  	v37 =	vshll.u32 v3, $0x1  }
0x1d8: {  	v3 =	vand.u32 $0x7, v3;
	v4 =	vand.u32 $0xFFFFFFF0, v37  }
0x1d9: {  	v3 =	vor.u32 v3, v4  }
0x1da: {  	v4 =	vperm.xlane v3, v0;
	_ =	sdelay $0x1  }
0x1db: {  	v3 =	vperm.xlane v3, v2;
	v4 =	vadd.s32 v1, v4;
	_ =	sdelay $0x1  }
0x1dc: {  	v3 =	vadd.s32 v1, v3;
	_ =	sdelay $0x2  }
0x1dd: {  	[tilespmem:s28], [sflag:$0x1] =	stream.indirect_vreg.gather [hbm4b:s2+s3], $0x80, v4, vm0, $0xb8;
	[tilespmem:$0x1C400] =	vst v63  }
0x1de: {  	_ = 	snop  }
0x1df: {  	[tilespmem:s10], [sflag:$0x1] =	stream.indirect_vreg.gather [hbm4b:s2+s3], $0x80, v3, vm0, $0xb8;
	[tilespmem:$0x1C400] =	vst v63  }
0x1e0: {  	v3 =	vld [tilespmem:$0x260];
	_ =	sdelay $0x4  }
0x1e1: {  	v38 =	vshll.u32 v3, $0x1  }
0x1e2: {  	v3 =	vand.u32 $0x7, v3;
	v4 =	vand.u32 $0xFFFFFFF0, v38  }
0x1e3: {  	v3 =	vor.u32 v3, v4  }
0x1e4: {  	v4 =	vperm.xlane v3, v0;
	_ =	sdelay $0x1  }
0x1e5: {  	v3 =	vperm.xlane v3, v2;
	v4 =	vadd.s32 v1, v4;
	_ =	sdelay $0x1  }
0x1e6: {  	v3 =	vadd.s32 v1, v3;
	_ =	sdelay $0x2  }
0x1e7: {  	[tilespmem:s11], [sflag:$0x1] =	stream.indirect_vreg.gather [hbm4b:s2+s3], $0x80, v4, vm0, $0xb8;
	[tilespmem:$0x1C400] =	vst v63  }
0x1e8: {  	_ = 	snop  }
0x1e9: {  	[tilespmem:s8], [sflag:$0x1] =	stream.indirect_vreg.gather [hbm4b:s2+s3], $0x80, v3, vm0, $0xb8;
	[tilespmem:$0x1C400] =	vst v63  }
0x1ea: {  	v3 =	vld [tilespmem:$0x270];
	_ =	sdelay $0x4  }
0x1eb: {  	v39 =	vshll.u32 v3, $0x1  }
0x1ec: {  	v3 =	vand.u32 $0x7, v3;
	v4 =	vand.u32 $0xFFFFFFF0, v39  }
0x1ed: {  	v3 =	vor.u32 v3, v4  }
0x1ee: {  	v4 =	vperm.xlane v3, v0;
	_ =	sdelay $0x1  }
0x1ef: {  	v3 =	vperm.xlane v3, v2;
	v4 =	vadd.s32 v1, v4;
	_ =	sdelay $0x1  }
0x1f0: {  	v3 =	vadd.s32 v1, v3;
	_ =	sdelay $0x2  }
0x1f1: {  	[tilespmem:s31], [sflag:$0x1] =	stream.indirect_vreg.gather [hbm4b:s2+s3], $0x80, v4, vm0, $0xb8;
	[tilespmem:$0x1C400] =	vst v63  }
0x1f2: {  	_ = 	snop  }
0x1f3: {  	[tilespmem:s9], [sflag:$0x1] =	stream.indirect_vreg.gather [hbm4b:s2+s3], $0x80, v3, vm0, $0xb8;
	[tilespmem:$0x1C400] =	vst v63  }
0x1f4: {  	_ =	swait.ge [sflag:s29], $0x4000  }
0x1f5: {  	[sflag:s29] =	ssyncset.done $0x0  }
0x1f6: {  	s26 =	rddreg [dreg:$0xc];
	[sflag:s29] =	ssyncadd.s32 $0xFFFFC000  }
0x1f7: {  	[hbm4b:s26+s3] =	stream.linear.scatter [tilespmem:s7], [sflag:$0x2], $0x4000, $0x38;
	[tilespmem:$0x1C400] =	vst v63  }
0x1f8: {  	_ =	swait.ge [sflag:s30], $0x4000  }
0x1f9: {  	[sflag:s30] =	ssyncset.done $0x0  }
0x1fa: {  	[sflag:s30] =	ssyncadd.s32 $0xFFFFC000  }
0x1fb: {  	v3 =	vld [tilespmem:$0x280];
	_ =	sdelay $0x4  }
0x1fc: {  	v40 =	vshll.u32 v3, $0x1  }
0x1fd: {  	v3 =	vand.u32 $0x7, v3;
	v4 =	vand.u32 $0xFFFFFFF0, v40  }
0x1fe: {  	v3 =	vor.u32 v3, v4  }
0x1ff: {  	v4 =	vperm.xlane v3, v0;
	_ =	sdelay $0x1  }
0x200: {  	v3 =	vperm.xlane v3, v2;
	v4 =	vadd.s32 v1, v4;
	_ =	sdelay $0x1  }
0x201: {  	v3 =	vadd.s32 v1, v3;
	_ =	sdelay $0x2  }
0x202: {  	[tilespmem:s25], [sflag:$0x1] =	stream.indirect_vreg.gather [hbm4b:s2+s3], $0x80, v4, vm0, $0xb8;
	[tilespmem:$0x1C400] =	vst v63  }
0x203: {  	_ = 	snop  }
0x204: {  	[tilespmem:s15], [sflag:$0x1] =	stream.indirect_vreg.gather [hbm4b:s2+s3], $0x80, v3, vm0, $0xb8;
	[tilespmem:$0x1C400] =	vst v63  }
0x205: {  	v3 =	vld [tilespmem:$0x290];
	_ =	sdelay $0x4  }
0x206: {  	v41 =	vshll.u32 v3, $0x1  }
0x207: {  	v3 =	vand.u32 $0x7, v3;
	v4 =	vand.u32 $0xFFFFFFF0, v41  }
0x208: {  	v3 =	vor.u32 v3, v4  }
0x209: {  	v4 =	vperm.xlane v3, v0;
	_ =	sdelay $0x1  }
0x20a: {  	v3 =	vperm.xlane v3, v2;
	v4 =	vadd.s32 v1, v4;
	_ =	sdelay $0x1  }
0x20b: {  	v3 =	vadd.s32 v1, v3;
	_ =	sdelay $0x2  }
0x20c: {  	[tilespmem:s17], [sflag:$0x1] =	stream.indirect_vreg.gather [hbm4b:s2+s3], $0x80, v4, vm0, $0xb8;
	[tilespmem:$0x1C400] =	vst v63  }
0x20d: {  	_ = 	snop  }
0x20e: {  	[tilespmem:s18], [sflag:$0x1] =	stream.indirect_vreg.gather [hbm4b:s2+s3], $0x80, v3, vm0, $0xb8;
	[tilespmem:$0x1C400] =	vst v63  }
0x20f: {  	v3 =	vld [tilespmem:$0x2A0];
	_ =	sdelay $0x4  }
0x210: {  	v42 =	vshll.u32 v3, $0x1  }
0x211: {  	v3 =	vand.u32 $0x7, v3;
	v4 =	vand.u32 $0xFFFFFFF0, v42  }
0x212: {  	v3 =	vor.u32 v3, v4  }
0x213: {  	v4 =	vperm.xlane v3, v0;
	_ =	sdelay $0x1  }
0x214: {  	v3 =	vperm.xlane v3, v2;
	v4 =	vadd.s32 v1, v4;
	_ =	sdelay $0x1  }
0x215: {  	v3 =	vadd.s32 v1, v3;
	_ =	sdelay $0x2  }
0x216: {  	[tilespmem:s19], [sflag:$0x1] =	stream.indirect_vreg.gather [hbm4b:s2+s3], $0x80, v4, vm0, $0xb8;
	[tilespmem:$0x1C400] =	vst v63  }
0x217: {  	_ = 	snop  }
0x218: {  	[tilespmem:s20], [sflag:$0x1] =	stream.indirect_vreg.gather [hbm4b:s2+s3], $0x80, v3, vm0, $0xb8;
	[tilespmem:$0x1C400] =	vst v63  }
0x219: {  	v3 =	vld [tilespmem:$0x2B0];
	_ =	sdelay $0x4  }
0x21a: {  	v43 =	vshll.u32 v3, $0x1  }
0x21b: {  	v3 =	vand.u32 $0x7, v3;
	v4 =	vand.u32 $0xFFFFFFF0, v43  }
0x21c: {  	v3 =	vor.u32 v3, v4  }
0x21d: {  	v4 =	vperm.xlane v3, v0;
	_ =	sdelay $0x1  }
0x21e: {  	v3 =	vperm.xlane v3, v2;
	v4 =	vadd.s32 v1, v4;
	_ =	sdelay $0x1  }
0x21f: {  	v3 =	vadd.s32 v1, v3;
	_ =	sdelay $0x2  }
0x220: {  	[tilespmem:s21], [sflag:$0x1] =	stream.indirect_vreg.gather [hbm4b:s2+s3], $0x80, v4, vm0, $0xb8;
	[tilespmem:$0x1C400] =	vst v63  }
0x221: {  	_ = 	snop  }
0x222: {  	[tilespmem:s22], [sflag:$0x1] =	stream.indirect_vreg.gather [hbm4b:s2+s3], $0x80, v3, vm0, $0xb8;
	[tilespmem:$0x1C400] =	vst v63  }
0x223: {  	_ =	swait.ge [sflag:s29], $0x4000  }
0x224: {  	[sflag:s29] =	ssyncset.done $0x0  }
0x225: {  	s26 =	rddreg [dreg:$0xd];
	[sflag:s29] =	ssyncadd.s32 $0xFFFFC000  }
0x226: {  	[hbm4b:s26+s3] =	stream.linear.scatter [tilespmem:s0], [sflag:$0x2], $0x4000, $0x38;
	[tilespmem:$0x1C400] =	vst v63  }
0x227: {  	_ =	swait.ge [sflag:s30], $0x4000  }
0x228: {  	[sflag:s30] =	ssyncset.done $0x0  }
0x229: {  	[sflag:s30] =	ssyncadd.s32 $0xFFFFC000  }
0x22a: {  	v3 =	vld [tilespmem:$0x2C0];
	_ =	sdelay $0x4  }
0x22b: {  	v44 =	vshll.u32 v3, $0x1  }
0x22c: {  	v3 =	vand.u32 $0x7, v3;
	v4 =	vand.u32 $0xFFFFFFF0, v44  }
0x22d: {  	v3 =	vor.u32 v3, v4  }
0x22e: {  	v4 =	vperm.xlane v3, v0;
	_ =	sdelay $0x1  }
0x22f: {  	v3 =	vperm.xlane v3, v2;
	v4 =	vadd.s32 v1, v4;
	_ =	sdelay $0x1  }
0x230: {  	v3 =	vadd.s32 v1, v3;
	_ =	sdelay $0x2  }
0x231: {  	[tilespmem:s23], [sflag:$0x1] =	stream.indirect_vreg.gather [hbm4b:s2+s3], $0x80, v4, vm0, $0xb8;
	[tilespmem:$0x1C400] =	vst v63  }
0x232: {  	s26 =	simm.s32 $0x10C00  }
0x233: {  	[tilespmem:s26], [sflag:$0x1] =	stream.indirect_vreg.gather [hbm4b:s2+s3], $0x80, v3, vm0, $0xb8;
	[tilespmem:$0x1C400] =	vst v63  }
0x234: {  	v3 =	vld [tilespmem:$0x2D0];
	_ =	sdelay $0x4  }
0x235: {  	v45 =	vshll.u32 v3, $0x1  }
0x236: {  	v3 =	vand.u32 $0x7, v3;
	v4 =	vand.u32 $0xFFFFFFF0, v45  }
0x237: {  	v3 =	vor.u32 v3, v4  }
0x238: {  	v4 =	vperm.xlane v3, v0;
	_ =	sdelay $0x1  }
0x239: {  	v3 =	vperm.xlane v3, v2;
	v4 =	vadd.s32 v1, v4;
	_ =	sdelay $0x1  }
0x23a: {  	v3 =	vadd.s32 v1, v3;
	_ =	sdelay $0x1  }
0x23b: {  	s24 =	simm.s32 $0x11400  }
0x23c: {  	[tilespmem:s24], [sflag:$0x1] =	stream.indirect_vreg.gather [hbm4b:s2+s3], $0x80, v4, vm0, $0xb8;
	[tilespmem:$0x1C400] =	vst v63  }
0x23d: {  	s26 =	simm.s32 $0x11C00  }
0x23e: {  	[tilespmem:s26], [sflag:$0x1] =	stream.indirect_vreg.gather [hbm4b:s2+s3], $0x80, v3, vm0, $0xb8;
	[tilespmem:$0x1C400] =	vst v63  }
0x23f: {  	v3 =	vld [tilespmem:$0x2E0];
	_ =	sdelay $0x4  }
0x240: {  	v46 =	vshll.u32 v3, $0x1  }
0x241: {  	v3 =	vand.u32 $0x7, v3;
	v4 =	vand.u32 $0xFFFFFFF0, v46  }
0x242: {  	v3 =	vor.u32 v3, v4  }
0x243: {  	v4 =	vperm.xlane v3, v0;
	_ =	sdelay $0x1  }
0x244: {  	v3 =	vperm.xlane v3, v2;
	v4 =	vadd.s32 v1, v4;
	_ =	sdelay $0x1  }
0x245: {  	v3 =	vadd.s32 v1, v3;
	_ =	sdelay $0x2  }
0x246: {  	[tilespmem:s12], [sflag:$0x1] =	stream.indirect_vreg.gather [hbm4b:s2+s3], $0x80, v4, vm0, $0xb8;
	[tilespmem:$0x1C400] =	vst v63  }
0x247: {  	_ = 	snop  }
0x248: {  	[tilespmem:s13], [sflag:$0x1] =	stream.indirect_vreg.gather [hbm4b:s2+s3], $0x80, v3, vm0, $0xb8;
	[tilespmem:$0x1C400] =	vst v63  }
0x249: {  	v3 =	vld [tilespmem:$0x2F0];
	_ =	sdelay $0x4  }
0x24a: {  	v47 =	vshll.u32 v3, $0x1  }
0x24b: {  	v3 =	vand.u32 $0x7, v3;
	v4 =	vand.u32 $0xFFFFFFF0, v47  }
0x24c: {  	v3 =	vor.u32 v3, v4  }
0x24d: {  	v4 =	vperm.xlane v3, v0;
	_ =	sdelay $0x1  }
0x24e: {  	v3 =	vperm.xlane v3, v2;
	v4 =	vadd.s32 v1, v4;
	_ =	sdelay $0x1  }
0x24f: {  	v3 =	vadd.s32 v1, v3;
	_ =	sdelay $0x2  }
0x250: {  	[tilespmem:s14], [sflag:$0x1] =	stream.indirect_vreg.gather [hbm4b:s2+s3], $0x80, v4, vm0, $0xb8;
	[tilespmem:$0x1C400] =	vst v63  }
0x251: {  	_ = 	snop  }
0x252: {  	[tilespmem:s16], [sflag:$0x1] =	stream.indirect_vreg.gather [hbm4b:s2+s3], $0x80, v3, vm0, $0xb8;
	[tilespmem:$0x1C400] =	vst v63  }
0x253: {  	_ =	swait.ge [sflag:s29], $0x4000  }
0x254: {  	[sflag:s29] =	ssyncset.done $0x0  }
0x255: {  	s0 =	rddreg [dreg:$0xe];
	[sflag:s29] =	ssyncadd.s32 $0xFFFFC000  }
0x256: {  	[hbm4b:s0+s3] =	stream.linear.scatter [tilespmem:s25], [sflag:$0x2], $0x4000, $0x38;
	[tilespmem:$0x1C400] =	vst v63  }
0x257: {  	_ =	swait.ge [sflag:s30], $0x4000  }
0x258: {  	[sflag:s30] =	ssyncset.done $0x0  }
0x259: {  	[sflag:s30] =	ssyncadd.s32 $0xFFFFC000  }
0x25a: {  	v3 =	vld [tilespmem:$0x300];
	_ =	sdelay $0x4  }
0x25b: {  	v48 =	vshll.u32 v3, $0x1  }
0x25c: {  	v3 =	vand.u32 $0x7, v3;
	v4 =	vand.u32 $0xFFFFFFF0, v48  }
0x25d: {  	v3 =	vor.u32 v3, v4  }
0x25e: {  	v4 =	vperm.xlane v3, v0;
	_ =	sdelay $0x1  }
0x25f: {  	v3 =	vperm.xlane v3, v2;
	v4 =	vadd.s32 v1, v4;
	_ =	sdelay $0x1  }
0x260: {  	v3 =	vadd.s32 v1, v3;
	_ =	sdelay $0x2  }
0x261: {  	[tilespmem:s1], [sflag:$0x1] =	stream.indirect_vreg.gather [hbm4b:s2+s3], $0x80, v4, vm0, $0xb8;
	[tilespmem:$0x1C400] =	vst v63  }
0x262: {  	s26 =	simm.s32 $0x14C00  }
0x263: {  	[tilespmem:s26], [sflag:$0x1] =	stream.indirect_vreg.gather [hbm4b:s2+s3], $0x80, v3, vm0, $0xb8;
	[tilespmem:$0x1C400] =	vst v63  }
0x264: {  	v3 =	vld [tilespmem:$0x310];
	_ =	sdelay $0x4  }
0x265: {  	v49 =	vshll.u32 v3, $0x1  }
0x266: {  	v3 =	vand.u32 $0x7, v3;
	v4 =	vand.u32 $0xFFFFFFF0, v49  }
0x267: {  	v3 =	vor.u32 v3, v4  }
0x268: {  	v4 =	vperm.xlane v3, v0;
	_ =	sdelay $0x1  }
0x269: {  	v3 =	vperm.xlane v3, v2;
	v4 =	vadd.s32 v1, v4;
	_ =	sdelay $0x1  }
0x26a: {  	v3 =	vadd.s32 v1, v3;
	_ =	sdelay $0x1  }
0x26b: {  	s24 =	simm.s32 $0x15400  }
0x26c: {  	[tilespmem:s24], [sflag:$0x1] =	stream.indirect_vreg.gather [hbm4b:s2+s3], $0x80, v4, vm0, $0xb8;
	[tilespmem:$0x1C400] =	vst v63  }
0x26d: {  	s26 =	simm.s32 $0x15C00  }
0x26e: {  	[tilespmem:s26], [sflag:$0x1] =	stream.indirect_vreg.gather [hbm4b:s2+s3], $0x80, v3, vm0, $0xb8;
	[tilespmem:$0x1C400] =	vst v63  }
0x26f: {  	v3 =	vld [tilespmem:$0x320];
	_ =	sdelay $0x4  }
0x270: {  	v50 =	vshll.u32 v3, $0x1  }
0x271: {  	v3 =	vand.u32 $0x7, v3;
	v4 =	vand.u32 $0xFFFFFFF0, v50  }
0x272: {  	v3 =	vor.u32 v3, v4  }
0x273: {  	v4 =	vperm.xlane v3, v0;
	_ =	sdelay $0x1  }
0x274: {  	v3 =	vperm.xlane v3, v2;
	v4 =	vadd.s32 v1, v4;
	_ =	sdelay $0x1  }
0x275: {  	v3 =	vadd.s32 v1, v3;
	_ =	sdelay $0x1  }
0x276: {  	s24 =	simm.s32 $0x16400  }
0x277: {  	[tilespmem:s24], [sflag:$0x1] =	stream.indirect_vreg.gather [hbm4b:s2+s3], $0x80, v4, vm0, $0xb8;
	[tilespmem:$0x1C400] =	vst v63  }
0x278: {  	s26 =	simm.s32 $0x16C00  }
0x279: {  	[tilespmem:s26], [sflag:$0x1] =	stream.indirect_vreg.gather [hbm4b:s2+s3], $0x80, v3, vm0, $0xb8;
	[tilespmem:$0x1C400] =	vst v63  }
0x27a: {  	v3 =	vld [tilespmem:$0x330];
	_ =	sdelay $0x4  }
0x27b: {  	v51 =	vshll.u32 v3, $0x1  }
0x27c: {  	v3 =	vand.u32 $0x7, v3;
	v4 =	vand.u32 $0xFFFFFFF0, v51  }
0x27d: {  	v3 =	vor.u32 v3, v4  }
0x27e: {  	v4 =	vperm.xlane v3, v0;
	_ =	sdelay $0x1  }
0x27f: {  	v3 =	vperm.xlane v3, v2;
	v4 =	vadd.s32 v1, v4;
	_ =	sdelay $0x1  }
0x280: {  	v3 =	vadd.s32 v1, v3;
	_ =	sdelay $0x1  }
0x281: {  	s24 =	simm.s32 $0x17400  }
0x282: {  	[tilespmem:s24], [sflag:$0x1] =	stream.indirect_vreg.gather [hbm4b:s2+s3], $0x80, v4, vm0, $0xb8;
	[tilespmem:$0x1C400] =	vst v63  }
0x283: {  	s26 =	simm.s32 $0x17C00  }
0x284: {  	[tilespmem:s26], [sflag:$0x1] =	stream.indirect_vreg.gather [hbm4b:s2+s3], $0x80, v3, vm0, $0xb8;
	[tilespmem:$0x1C400] =	vst v63  }
0x285: {  	_ =	swait.ge [sflag:s29], $0x4000  }
0x286: {  	[sflag:s29] =	ssyncset.done $0x0  }
0x287: {  	s0 =	rddreg [dreg:$0xf];
	[sflag:s29] =	ssyncadd.s32 $0xFFFFC000  }
0x288: {  	[hbm4b:s0+s3] =	stream.linear.scatter [tilespmem:s23], [sflag:$0x2], $0x4000, $0x38;
	[tilespmem:$0x1C400] =	vst v63  }
0x289: {  	_ =	swait.ge [sflag:s30], $0x4000  }
0x28a: {  	[sflag:s30] =	ssyncset.done $0x0  }
0x28b: {  	[sflag:s30] =	ssyncadd.s32 $0xFFFFC000  }
0x28c: {  	v3 =	vld [tilespmem:$0x340];
	_ =	sdelay $0x4  }
0x28d: {  	v52 =	vshll.u32 v3, $0x1  }
0x28e: {  	v3 =	vand.u32 $0x7, v3;
	v4 =	vand.u32 $0xFFFFFFF0, v52  }
0x28f: {  	v3 =	vor.u32 v3, v4  }
0x290: {  	v4 =	vperm.xlane v3, v0;
	_ =	sdelay $0x1  }
0x291: {  	v3 =	vperm.xlane v3, v2;
	v4 =	vadd.s32 v1, v4;
	_ =	sdelay $0x1  }
0x292: {  	v3 =	vadd.s32 v1, v3;
	_ =	sdelay $0x2  }
0x293: {  	[tilespmem:s4], [sflag:$0x1] =	stream.indirect_vreg.gather [hbm4b:s2+s3], $0x80, v4, vm0, $0xb8;
	[tilespmem:$0x1C400] =	vst v63  }
0x294: {  	s26 =	simm.s32 $0x18C00  }
0x295: {  	[tilespmem:s26], [sflag:$0x1] =	stream.indirect_vreg.gather [hbm4b:s2+s3], $0x80, v3, vm0, $0xb8;
	[tilespmem:$0x1C400] =	vst v63  }
0x296: {  	v3 =	vld [tilespmem:$0x350];
	_ =	sdelay $0x4  }
0x297: {  	v53 =	vshll.u32 v3, $0x1  }
0x298: {  	v3 =	vand.u32 $0x7, v3;
	v4 =	vand.u32 $0xFFFFFFF0, v53  }
0x299: {  	v3 =	vor.u32 v3, v4  }
0x29a: {  	v4 =	vperm.xlane v3, v0;
	_ =	sdelay $0x1  }
0x29b: {  	v3 =	vperm.xlane v3, v2;
	v4 =	vadd.s32 v1, v4;
	_ =	sdelay $0x1  }
0x29c: {  	v3 =	vadd.s32 v1, v3;
	_ =	sdelay $0x1  }
0x29d: {  	s24 =	simm.s32 $0x19400  }
0x29e: {  	[tilespmem:s24], [sflag:$0x1] =	stream.indirect_vreg.gather [hbm4b:s2+s3], $0x80, v4, vm0, $0xb8;
	[tilespmem:$0x1C400] =	vst v63  }
0x29f: {  	s26 =	simm.s32 $0x19C00  }
0x2a0: {  	[tilespmem:s26], [sflag:$0x1] =	stream.indirect_vreg.gather [hbm4b:s2+s3], $0x80, v3, vm0, $0xb8;
	[tilespmem:$0x1C400] =	vst v63  }
0x2a1: {  	v3 =	vld [tilespmem:$0x360];
	_ =	sdelay $0x4  }
0x2a2: {  	v54 =	vshll.u32 v3, $0x1  }
0x2a3: {  	v3 =	vand.u32 $0x7, v3;
	v4 =	vand.u32 $0xFFFFFFF0, v54  }
0x2a4: {  	v3 =	vor.u32 v3, v4  }
0x2a5: {  	v4 =	vperm.xlane v3, v0;
	_ =	sdelay $0x1  }
0x2a6: {  	v3 =	vperm.xlane v3, v2;
	v4 =	vadd.s32 v1, v4;
	_ =	sdelay $0x1  }
0x2a7: {  	v3 =	vadd.s32 v1, v3;
	_ =	sdelay $0x1  }
0x2a8: {  	s24 =	simm.s32 $0x1A400  }
0x2a9: {  	[tilespmem:s24], [sflag:$0x1] =	stream.indirect_vreg.gather [hbm4b:s2+s3], $0x80, v4, vm0, $0xb8;
	[tilespmem:$0x1C400] =	vst v63  }
0x2aa: {  	s26 =	simm.s32 $0x1AC00  }
0x2ab: {  	[tilespmem:s26], [sflag:$0x1] =	stream.indirect_vreg.gather [hbm4b:s2+s3], $0x80, v3, vm0, $0xb8;
	[tilespmem:$0x1C400] =	vst v63  }
0x2ac: {  	v3 =	vld [tilespmem:$0x370];
	_ =	sdelay $0x4  }
0x2ad: {  	v55 =	vshll.u32 v3, $0x1  }
0x2ae: {  	v3 =	vand.u32 $0x7, v3;
	v4 =	vand.u32 $0xFFFFFFF0, v55  }
0x2af: {  	v3 =	vor.u32 v3, v4  }
0x2b0: {  	v4 =	vperm.xlane v3, v0;
	_ =	sdelay $0x1  }
0x2b1: {  	v3 =	vperm.xlane v3, v2;
	v4 =	vadd.s32 v1, v4;
	_ =	sdelay $0x1  }
0x2b2: {  	v3 =	vadd.s32 v1, v3;
	_ =	sdelay $0x1  }
0x2b3: {  	s24 =	simm.s32 $0x1B400  }
0x2b4: {  	[tilespmem:s24], [sflag:$0x1] =	stream.indirect_vreg.gather [hbm4b:s2+s3], $0x80, v4, vm0, $0xb8;
	[tilespmem:$0x1C400] =	vst v63  }
0x2b5: {  	s26 =	simm.s32 $0x1BC00  }
0x2b6: {  	[tilespmem:s26], [sflag:$0x1] =	stream.indirect_vreg.gather [hbm4b:s2+s3], $0x80, v3, vm0, $0xb8;
	[tilespmem:$0x1C400] =	vst v63  }
0x2b7: {  	_ =	swait.ge [sflag:s29], $0x4000  }
0x2b8: {  	[sflag:s29] =	ssyncset.done $0x0  }
0x2b9: {  	s0 =	rddreg [dreg:$0x10];
	[sflag:s29] =	ssyncadd.s32 $0xFFFFC000  }
0x2ba: {  	[hbm4b:s0+s3] =	stream.linear.scatter [tilespmem:s1], [sflag:$0x2], $0x4000, $0x38;
	[tilespmem:$0x1C400] =	vst v63  }
0x2bb: {  	_ =	swait.ge [sflag:s30], $0x4000  }
0x2bc: {  	[sflag:s30] =	ssyncset.done $0x0  }
0x2bd: {  	[sflag:s30] =	ssyncadd.s32 $0xFFFFC000  }
0x2be: {  	v3 =	vld [tilespmem:$0x380];
	_ =	sdelay $0x4  }
0x2bf: {  	v56 =	vshll.u32 v3, $0x1  }
0x2c0: {  	v3 =	vand.u32 $0x7, v3;
	v4 =	vand.u32 $0xFFFFFFF0, v56  }
0x2c1: {  	v3 =	vor.u32 v3, v4  }
0x2c2: {  	v4 =	vperm.xlane v3, v0;
	_ =	sdelay $0x1  }
0x2c3: {  	v3 =	vperm.xlane v3, v2;
	v4 =	vadd.s32 v1, v4;
	_ =	sdelay $0x1  }
0x2c4: {  	v3 =	vadd.s32 v1, v3;
	_ =	sdelay $0x2  }
0x2c5: {  	[tilespmem:s6], [sflag:$0x1] =	stream.indirect_vreg.gather [hbm4b:s2+s3], $0x80, v4, vm0, $0xb8;
	[tilespmem:$0x1C400] =	vst v63  }
0x2c6: {  	s26 =	simm.s32 $0xC00  }
0x2c7: {  	[tilespmem:s26], [sflag:$0x1] =	stream.indirect_vreg.gather [hbm4b:s2+s3], $0x80, v3, vm0, $0xb8;
	[tilespmem:$0x1C400] =	vst v63  }
0x2c8: {  	v3 =	vld [tilespmem:$0x390];
	_ =	sdelay $0x4  }
0x2c9: {  	v57 =	vshll.u32 v3, $0x1  }
0x2ca: {  	v3 =	vand.u32 $0x7, v3;
	v4 =	vand.u32 $0xFFFFFFF0, v57  }
0x2cb: {  	v3 =	vor.u32 v3, v4  }
0x2cc: {  	v4 =	vperm.xlane v3, v0;
	_ =	sdelay $0x1  }
0x2cd: {  	v3 =	vperm.xlane v3, v2;
	v4 =	vadd.s32 v1, v4;
	_ =	sdelay $0x1  }
0x2ce: {  	v3 =	vadd.s32 v1, v3;
	_ =	sdelay $0x1  }
0x2cf: {  	s1 =	simm.s32 $0x1400  }
0x2d0: {  	[tilespmem:s1], [sflag:$0x1] =	stream.indirect_vreg.gather [hbm4b:s2+s3], $0x80, v4, vm0, $0xb8;
	[tilespmem:$0x1C400] =	vst v63  }
0x2d1: {  	s24 =	simm.s32 $0x1C00  }
0x2d2: {  	[tilespmem:s24], [sflag:$0x1] =	stream.indirect_vreg.gather [hbm4b:s2+s3], $0x80, v3, vm0, $0xb8;
	[tilespmem:$0x1C400] =	vst v63  }
0x2d3: {  	v3 =	vld [tilespmem:$0x3A0];
	_ =	sdelay $0x4  }
0x2d4: {  	v58 =	vshll.u32 v3, $0x1  }
0x2d5: {  	v3 =	vand.u32 $0x7, v3;
	v4 =	vand.u32 $0xFFFFFFF0, v58  }
0x2d6: {  	v3 =	vor.u32 v3, v4  }
0x2d7: {  	v4 =	vperm.xlane v3, v0;
	_ =	sdelay $0x1  }
0x2d8: {  	v3 =	vperm.xlane v3, v2;
	v4 =	vadd.s32 v1, v4;
	_ =	sdelay $0x1  }
0x2d9: {  	v3 =	vadd.s32 v1, v3;
	_ =	sdelay $0x1  }
0x2da: {  	s26 =	simm.s32 $0x2400  }
0x2db: {  	[tilespmem:s26], [sflag:$0x1] =	stream.indirect_vreg.gather [hbm4b:s2+s3], $0x80, v4, vm0, $0xb8;
	[tilespmem:$0x1C400] =	vst v63  }
0x2dc: {  	s1 =	simm.s32 $0x2C00  }
0x2dd: {  	[tilespmem:s1], [sflag:$0x1] =	stream.indirect_vreg.gather [hbm4b:s2+s3], $0x80, v3, vm0, $0xb8;
	[tilespmem:$0x1C400] =	vst v63  }
0x2de: {  	v3 =	vld [tilespmem:$0x3B0];
	_ =	sdelay $0x4  }
0x2df: {  	v59 =	vshll.u32 v3, $0x1  }
0x2e0: {  	v3 =	vand.u32 $0x7, v3;
	v4 =	vand.u32 $0xFFFFFFF0, v59  }
0x2e1: {  	v3 =	vor.u32 v3, v4  }
0x2e2: {  	v4 =	vperm.xlane v3, v0;
	_ =	sdelay $0x1  }
0x2e3: {  	v3 =	vperm.xlane v3, v2;
	v4 =	vadd.s32 v1, v4;
	_ =	sdelay $0x1  }
0x2e4: {  	v3 =	vadd.s32 v1, v3;
	_ =	sdelay $0x1  }
0x2e5: {  	s24 =	simm.s32 $0x3400  }
0x2e6: {  	[tilespmem:s24], [sflag:$0x1] =	stream.indirect_vreg.gather [hbm4b:s2+s3], $0x80, v4, vm0, $0xb8;
	[tilespmem:$0x1C400] =	vst v63  }
0x2e7: {  	s26 =	simm.s32 $0x3C00  }
0x2e8: {  	[tilespmem:s26], [sflag:$0x1] =	stream.indirect_vreg.gather [hbm4b:s2+s3], $0x80, v3, vm0, $0xb8;
	[tilespmem:$0x1C400] =	vst v63  }
0x2e9: {  	_ =	swait.ge [sflag:s29], $0x4000  }
0x2ea: {  	[sflag:s29] =	ssyncset.done $0x0  }
0x2eb: {  	s1 =	rddreg [dreg:$0x11];
	[sflag:s29] =	ssyncadd.s32 $0xFFFFC000  }
0x2ec: {  	[hbm4b:s1+s3] =	stream.linear.scatter [tilespmem:s4], [sflag:$0x2], $0x4000, $0x38;
	[tilespmem:$0x1C400] =	vst v63  }
0x2ed: {  	_ =	swait.ge [sflag:s30], $0x4000  }
0x2ee: {  	[sflag:s30] =	ssyncset.done $0x0  }
0x2ef: {  	[sflag:s30] =	ssyncadd.s32 $0xFFFFC000  }
0x2f0: {  	v3 =	vld [tilespmem:$0x3C0];
	_ =	sdelay $0x4  }
0x2f1: {  	v60 =	vshll.u32 v3, $0x1  }
0x2f2: {  	v3 =	vand.u32 $0x7, v3;
	v4 =	vand.u32 $0xFFFFFFF0, v60  }
0x2f3: {  	v3 =	vor.u32 v3, v4  }
0x2f4: {  	v4 =	vperm.xlane v3, v0;
	_ =	sdelay $0x1  }
0x2f5: {  	v3 =	vperm.xlane v3, v2;
	v4 =	vadd.s32 v1, v4;
	_ =	sdelay $0x1  }
0x2f6: {  	v3 =	vadd.s32 v1, v3;
	_ =	sdelay $0x2  }
0x2f7: {  	[tilespmem:s7], [sflag:$0x1] =	stream.indirect_vreg.gather [hbm4b:s2+s3], $0x80, v4, vm0, $0xb8;
	[tilespmem:$0x1C400] =	vst v63  }
0x2f8: {  	s24 =	simm.s32 $0x4C00  }
0x2f9: {  	[tilespmem:s24], [sflag:$0x1] =	stream.indirect_vreg.gather [hbm4b:s2+s3], $0x80, v3, vm0, $0xb8;
	[tilespmem:$0x1C400] =	vst v63  }
0x2fa: {  	v3 =	vld [tilespmem:$0x3D0];
	_ =	sdelay $0x4  }
0x2fb: {  	v61 =	vshll.u32 v3, $0x1  }
0x2fc: {  	v3 =	vand.u32 $0x7, v3;
	v4 =	vand.u32 $0xFFFFFFF0, v61  }
0x2fd: {  	v3 =	vor.u32 v3, v4  }
0x2fe: {  	v4 =	vperm.xlane v3, v0;
	_ =	sdelay $0x1  }
0x2ff: {  	v3 =	vperm.xlane v3, v2;
	v4 =	vadd.s32 v1, v4;
	_ =	sdelay $0x1  }
0x300: {  	v3 =	vadd.s32 v1, v3;
	_ =	sdelay $0x1  }
0x301: {  	s26 =	simm.s32 $0x5400  }
0x302: {  	[tilespmem:s26], [sflag:$0x1] =	stream.indirect_vreg.gather [hbm4b:s2+s3], $0x80, v4, vm0, $0xb8;
	[tilespmem:$0x1C400] =	vst v63  }
0x303: {  	s1 =	simm.s32 $0x5C00  }
0x304: {  	[tilespmem:s1], [sflag:$0x1] =	stream.indirect_vreg.gather [hbm4b:s2+s3], $0x80, v3, vm0, $0xb8;
	[tilespmem:$0x1C400] =	vst v63  }
0x305: {  	v3 =	vld [tilespmem:$0x3E0];
	_ =	sdelay $0x4  }
0x306: {  	v62 =	vshll.u32 v3, $0x1  }
0x307: {  	v3 =	vand.u32 $0x7, v3;
	v4 =	vand.u32 $0xFFFFFFF0, v62  }
0x308: {  	v3 =	vor.u32 v3, v4  }
0x309: {  	v4 =	vperm.xlane v3, v0;
	_ =	sdelay $0x1  }
0x30a: {  	v3 =	vperm.xlane v3, v2;
	v4 =	vadd.s32 v1, v4;
	_ =	sdelay $0x1  }
0x30b: {  	v3 =	vadd.s32 v1, v3;
	_ =	sdelay $0x1  }
0x30c: {  	s4 =	simm.s32 $0x6400  }
0x30d: {  	[tilespmem:s4], [sflag:$0x1] =	stream.indirect_vreg.gather [hbm4b:s2+s3], $0x80, v4, vm0, $0xb8;
	[tilespmem:$0x1C400] =	vst v63  }
0x30e: {  	s24 =	simm.s32 $0x6C00  }
0x30f: {  	[tilespmem:s24], [sflag:$0x1] =	stream.indirect_vreg.gather [hbm4b:s2+s3], $0x80, v3, vm0, $0xb8;
	[tilespmem:$0x1C400] =	vst v63  }
0x310: {  	v3 =	vld [tilespmem:$0x3F0];
	_ =	sdelay $0x4  }
0x311: {  	v63 =	vshll.u32 v3, $0x1  }
0x312: {  	v3 =	vand.u32 $0x7, v3;
	v4 =	vand.u32 $0xFFFFFFF0, v63  }
0x313: {  	v3 =	vor.u32 v3, v4  }
0x314: {  	v4 =	vperm.xlane v3, v0;
	_ =	sdelay $0x1  }
0x315: {  	v3 =	vperm.xlane v3, v2;
	v4 =	vadd.s32 v1, v4;
	_ =	sdelay $0x1  }
0x316: {  	v3 =	vadd.s32 v1, v3;
	_ =	sdelay $0x1  }
0x317: {  	s26 =	simm.s32 $0x7400  }
0x318: {  	[tilespmem:s26], [sflag:$0x1] =	stream.indirect_vreg.gather [hbm4b:s2+s3], $0x80, v4, vm0, $0xb8;
	[tilespmem:$0x1C400] =	vst v63  }
0x319: {  	s1 =	simm.s32 $0x7C00  }
0x31a: {  	[tilespmem:s1], [sflag:$0x1] =	stream.indirect_vreg.gather [hbm4b:s2+s3], $0x80, v3, vm0, $0xb8;
	[tilespmem:$0x1C400] =	vst v63  }
0x31b: {  	_ =	swait.ge [sflag:s29], $0x4000  }
0x31c: {  	[sflag:s29] =	ssyncset.done $0x0  }
0x31d: {  	s4 =	rddreg [dreg:$0x12];
	[sflag:s29] =	ssyncadd.s32 $0xFFFFC000  }
0x31e: {  	[hbm4b:s4+s3] =	stream.linear.scatter [tilespmem:s6], [sflag:$0x2], $0x4000, $0x38;
	[tilespmem:$0x1C400] =	vst v63  }
0x31f: {  	_ =	swait.ge [sflag:s29], $0x4000  }
0x320: {  	[sflag:s29] =	ssyncset.done $0x0  }
0x321: {  	s26 =	rddreg [dreg:$0x13];
	[sflag:s29] =	ssyncadd.s32 $0xFFFFC000  }
0x322: {  	[hbm4b:s26+s3] =	stream.linear.scatter [tilespmem:s7], [sflag:$0x2], $0x4000, $0x38;
	[tilespmem:$0x1C400] =	vst v63  }
0x323: {  	_ =	swait.ge [sflag:s30], $0x4000  }
0x324: {  	[sflag:s30] =	ssyncset.done $0x0  }
0x325: {  	[sflag:s30] =	ssyncadd.s32 $0xFFFFC000  }
0x326: {  	_ =	swait.ge [sflag:s30], $0x4000  }
0x327: {  	[sflag:s30] =	ssyncset.done $0x0  }
0x328: {  	[sflag:s30] =	ssyncadd.s32 $0xFFFFC000  }
0x329: {  	_ =	swait.ge [sflag:s30], $0x4000  }
0x32a: {  	[sflag:s30] =	ssyncset.done $0x0  }
0x32b: {  	[sflag:s30] =	ssyncadd.s32 $0xFFFFC000  }
0x32c: {  	_ =	swait.ge [sflag:s30], $0x4000  }
0x32d: {  	[sflag:s30] =	ssyncset.done $0x0  }
0x32e: {  	[sflag:s30] =	ssyncadd.s32 $0xFFFFC000  }
0x32f: {  	_ =	swait.ge [sflag:s30], $0x4000  }
0x330: {  	[sflag:s30] =	ssyncset.done $0x0  }
0x331: {  	[sflag:s30] =	ssyncadd.s32 $0xFFFFC000  }
0x332: {  	p0 =	sne.s32 s5, $0x1;
	_ =	swait.ge [sflag:s30], $0x4000  }
.Ltmp0:
0x333: {  	[sflag:s30] =	ssyncset.done $0x0;
	(pc) =	sbr.rel @p0 .LBB2_1-.Ltmp0, $4  }
0x334: {  	[sflag:s30] =	ssyncadd.s32 $0xFFFFC000  }
0x335: {  	_ =	swait.ge [sflag:s30], $0x4000  }
0x336: {  	[sflag:s30] =	ssyncset.done $0x0  }
0x337: {  	s5 =	sadd.s32 $0xFFFFFFFF, s5;
	[sflag:s30] =	ssyncadd.s32 $0xFFFFC000  }
0x338: {  	_ =	sfence.sel $0x180000  }
0x339: {  	[bflag:$0x0] =	sbarrier.arrive $0xFFFF  }
0x33a: {  	_ =	strace $0x90000047  }
0x33b: {  	s0 =	stileid.u32;
	[bflag:$0x2] =	sbarrier.arrive $0xFFFF  }
0x33c: {  	p0 =	sne.s32 s0, $0x0;
	s0 =	rddreg [dreg:$0x3]  }
0x33d: {  	s0 =	sadd.s32 @!p0 $0x100000, s0  }
0x33e: {  	[sflag:s0] =	ssyncadd.tile.s32 @!p0 $0x1;
	_ =	shalt  }
.Lfunc_end2:
_tile_overlayer_lowered:
.L_overlay_start_2:
0x33f: {  	(tag) =	ssettag $0x2  }
0x340: {  	s0 =	rddreg [dreg:$0x0];
	s2 =	stileid.u32  }
0x341: {  	s1 =	rddreg [dreg:$0x1];
	p0 =	sne.s32 s2, $0x0  }
0x342: {  	s3 =	rddreg [dreg:$0x2];
	[bflag:$0x3] =	sbarrier.arrive $0xFFFF;
	s2 =	simm.s32 @!p0 $0x1C03  }
0x343: {  	[timem:s3], [sflag:s2] =	dma.local @!p0 [hbm:s0], s1  }
0x344: {  	s0 =	simm.s32 @!p0 $0x3  }
0x345: {  	_ =	swait.ge @!p0 [sflag:s0], s1  }
0x346: {  	s1 =	ssub.s32 @!p0 $0x0, s1;
	[sflag:s0] =	ssyncset.done @!p0 $0x0  }
0x347: {  	[sflag:s0] =	ssyncadd.s32 @!p0 s1  }
0x348: {  	[bflag:$0x3] =	sbarrier.arrive $0xFFFF  }
0x349: {  	_ =	shalt  }

</sc_bundles>
